<compile_context>
chip_gen: v7x
topology: tpu7x:2x2x1
jax: 0.10.2.dev20260603
libtpu: 0.0.44.dev20260713+nightly
codegen_flags: <defaults>
</compile_context>

<pallas_src>
import functools

import jax
import jax.numpy as jnp
from jax import lax
from jax.experimental import pallas as pl
from jax.experimental.pallas import tpu as pltpu
from jax.experimental.pallas import tpu_sc as plsc

D = 128
N_TASK = 128
N_DATA = 10000
NFLAT = N_DATA * N_TASK

NC = 2
NS = 16
NW = NC * NS
CW = 80
WAVE = 25

SLICE = NFLAT // NS
ZCH = 4000


def _make_build_b(k_chunks: int):
  _mesh = plsc.VectorSubcoreMesh(
      core_axis_name="c", subcore_axis_name="s", num_cores=NC, num_subcores=NS)

  @functools.partial(
      pl.kernel,
      out_type=jax.ShapeDtypeStruct((NC * NFLAT,), jnp.float32),
      mesh=_mesh,
      scratch_types=[
          pltpu.VMEM((k_chunks * CW,), jnp.int32),
          pltpu.VMEM((k_chunks * CW,), jnp.float32),
          pltpu.VMEM((ZCH,), jnp.float32),
          pltpu.VMEM_SHARED((NFLAT,), jnp.float32),
          pltpu.SemaphoreType.DMA,
          pltpu.SemaphoreType.DMA,
          pltpu.SemaphoreType.DMA,
      ],
  )
  def build_b(idx_hbm, val_hbm, out_hbm,
              idx_v, val_v, zero_v, acc, sem_in, sem_z, sem_s):
    c = lax.axis_index("c")
    s = lax.axis_index("s")
    wid = c * NS + s

    pte = k_chunks * CW
    d_idx = pltpu.async_copy(idx_hbm.at[pl.ds(wid * pte, pte)], idx_v, sem_in)
    d_val = pltpu.async_copy(val_hbm.at[pl.ds(wid * pte, pte)], val_v, sem_in)

    def zfill(i, carry):
      zero_v[pl.ds(i * 16, 16)] = jnp.zeros((16,), jnp.float32)
      return carry
    lax.fori_loop(0, ZCH // 16, zfill, 0)

    base = s * SLICE
    zdescs = [
        pltpu.async_copy(zero_v, acc.at[pl.ds(base + z * ZCH, ZCH)], sem_z)
        for z in range(SLICE // ZCH)
    ]

    d_idx.wait()
    d_val.wait()
    for dz in zdescs:
      dz.wait()
    plsc.subcore_barrier()

    def wave(w, carry):
      j0 = w * WAVE
      descs = [
          pltpu.async_copy(val_v.at[pl.ds((j0 + i) * CW, CW)],
                           acc.at[idx_v.at[pl.ds((j0 + i) * CW, CW)]],
                           sem_s, add=True)
          for i in range(WAVE)
      ]
      for dsc in descs:
        dsc.wait()
      return carry
    lax.fori_loop(0, k_chunks // WAVE, wave, 0)

    plsc.subcore_barrier()

    pltpu.sync_copy(acc.at[pl.ds(base, SLICE)],
                    out_hbm.at[pl.ds(c * NFLAT + base, SLICE)])

  return build_b


TR = 2000
NT = N_DATA // TR


def _dense_body(x_ref, bp_ref, te_ref, wm0_ref, ws0_ref,
                b0_ref, wm1_ref, ws1_ref, b1_ref, pred_ref, de_ref, to_ref,
                te_s, m0_s, bsum_s, hd0_s, aggt0_s, aggt1_s, ht0_s, ht1m_s,
                ht1_s):
  f32 = jnp.float32
  p = pl.program_id(0)
  t = pl.program_id(1)

  def mm(a, b):
    return lax.dot_general(a, b, (((1,), (0,)), ((), ())),
                           preferred_element_type=f32)

  def mmT(a, b):
    return lax.dot_general(a, b, (((0,), (0,)), ((), ())),
                           preferred_element_type=f32)

  @pl.when((p == 0) & (t == 0))
  def _init():
    te = te_ref[...]
    nrm = jnp.sqrt(jnp.sum(te * te, axis=1, keepdims=True))
    te_n = te / jnp.maximum(nrm, 1e-12)
    te_s[...] = te_n
    m0_s[...] = mm(te_n, wm0_ref[...])
    aggt0_s[...] = jnp.zeros((N_TASK, D), f32)
    aggt1_s[...] = jnp.zeros((N_TASK, D), f32)

  @pl.when(p == 0)
  def _phase0():
    bt = bp_ref[0] + bp_ref[1]
    rows = pl.ds(t * TR, TR)
    bsum_s[rows, :] = bt
    x_t = x_ref[...]
    hd0_t = jnp.maximum(
        mm(bt, m0_s[...]) + mm(x_t, ws0_ref[...]) + b0_ref[...], 0.0)
    hd0_s[rows, :] = hd0_t
    aggt0_s[...] += mmT(bt, x_t)
    aggt1_s[...] += mmT(bt, hd0_t)

  @pl.when((p == 1) & (t == 0))
  def _task_side():
    ht0 = jnp.maximum(
        mm(aggt0_s[...], wm0_ref[...]) + mm(te_s[...], ws0_ref[...])
        + b0_ref[...], 0.0)
    ht1 = (mm(aggt1_s[...], wm1_ref[...]) + mm(ht0, ws1_ref[...])
           + b1_ref[...])
    ht0_s[...] = ht0
    ht1m_s[...] = mm(ht0, wm1_ref[...])
    ht1_s[...] = ht1
    to_ref[...] = ht1

  @pl.when(p == 1)
  def _phase1():
    rows = pl.ds(t * TR, TR)
    bt = bsum_s[rows, :]
    hd1_t = (mm(bt, ht1m_s[...])
             + mm(hd0_s[rows, :], ws1_ref[...]) + b1_ref[...])
    de_ref[...] = hd1_t
    pred_ref[...] = lax.dot_general(hd1_t, ht1_s[...],
                                    (((1,), (1,)), ((), ())),
                                    preferred_element_type=f32)


def _dense_call(x, bpair, te, wm0, ws0, b0, wm1, ws1, b1):
  f32 = jnp.float32
  last = NT - 1

  def row_map(p, t):
    return (jnp.where(p == 0, t, last), 0)

  def bp_map(p, t):
    return (0, jnp.where(p == 0, t, last), 0)

  def out_map(p, t):
    return (jnp.where(p == 0, 0, t), 0)

  const2 = lambda p, t: (0, 0)
  return pl.pallas_call(
      _dense_body,
      grid=(2, NT),
      in_specs=[
          pl.BlockSpec((TR, D), row_map),
          pl.BlockSpec((NC, TR, N_TASK), bp_map),
          pl.BlockSpec((N_TASK, D), const2),
          pl.BlockSpec((D, D), const2),
          pl.BlockSpec((D, D), const2),
          pl.BlockSpec((1, D), const2),
          pl.BlockSpec((D, D), const2),
          pl.BlockSpec((D, D), const2),
          pl.BlockSpec((1, D), const2),
      ],
      out_specs=(
          pl.BlockSpec((TR, N_TASK), out_map),
          pl.BlockSpec((TR, D), out_map),
          pl.BlockSpec((N_TASK, D), const2),
      ),
      out_shape=(
          jax.ShapeDtypeStruct((N_DATA, N_TASK), f32),
          jax.ShapeDtypeStruct((N_DATA, D), f32),
          jax.ShapeDtypeStruct((N_TASK, D), f32),
      ),
      scratch_shapes=[
          pltpu.VMEM((N_TASK, D), f32),
          pltpu.VMEM((D, D), f32),
          pltpu.VMEM((N_DATA, N_TASK), f32),
          pltpu.VMEM((N_DATA, D), f32),
          pltpu.VMEM((N_TASK, D), f32),
          pltpu.VMEM((N_TASK, D), f32),
          pltpu.VMEM((N_TASK, D), f32),
          pltpu.VMEM((D, D), f32),
          pltpu.VMEM((N_TASK, D), f32),
      ],
      compiler_params=pltpu.CompilerParams(
          dimension_semantics=("arbitrary", "arbitrary")),
  )(x, bpair, te, wm0, ws0, b0, wm1, ws1, b1)


def kernel(graph_feature, graph_targets_id, graph_targets_id_batch,
           graph_targets_value, task_emb, W_msg0, W_self0, b0,
           W_msg1, W_self1, b1):
  e = graph_targets_id.shape[0]
  per = NW * CW
  assert e % per == 0, "edge count must tile over 32 subcores"
  k_chunks = e // per

  tid = graph_targets_id.astype(jnp.int32)
  tb = graph_targets_id_batch.astype(jnp.int32)
  flat = tb * N_TASK + tid

  bflat = _make_build_b(k_chunks)(flat, graph_targets_value)
  bpair = bflat.reshape(NC, N_DATA, N_TASK)

  pred, de, to = _dense_call(
      graph_feature, bpair, task_emb, W_msg0, W_self0,
      b0.reshape(1, D), W_msg1, W_self1, b1.reshape(1, D))
  return (pred, de, to)

# --- scband reference (transcript-rebuilt; emitter-appended) ---
"""Pipeline reference for scband-mphead-14448269984046 (READ-ONLY COPY).

The authoritative reference and input builder live on the scoring server;
editing this copy changes nothing except your own understanding.
"""

import jax, jax.numpy as jnp
import numpy as np

D = 128
N_DATA = 10000
N_TASK = 128
E = 320000


def _xavier(key, shape, gain=1.0):
    fan_out, fan_in = shape[0], shape[1]
    bound = gain * np.sqrt(6.0 / (fan_in + fan_out))
    return jax.random.uniform(key, shape, dtype=jnp.float32, minval=-bound, maxval=bound)


def setup_inputs(seed: int = 0) -> dict:
    key = jax.random.key(seed)
    ks = jax.random.split(key, 12)
    inp = {}
    inp["graph_feature"] = jax.random.normal(ks[0], (N_DATA, D), dtype=jnp.float32)
    inp["graph_targets_id"] = jax.random.randint(ks[1], (E,), 0, N_TASK, dtype=jnp.int64)
    inp["graph_targets_id_batch"] = jax.random.randint(ks[2], (E,), 0, N_DATA, dtype=jnp.int64)
    inp["graph_targets_value"] = jax.random.uniform(ks[3], (E,), dtype=jnp.float32)
    # learned parameters
    relu_gain = np.sqrt(2.0)
    inp["task_emb"] = _xavier(ks[4], (N_TASK, D), gain=relu_gain)
    inp["W_msg0"] = _xavier(ks[5], (D, D))
    inp["W_self0"] = _xavier(ks[6], (D, D))
    inp["b0"] = jnp.zeros((D,), dtype=jnp.float32)
    inp["W_msg1"] = _xavier(ks[7], (D, D))
    inp["W_self1"] = _xavier(ks[8], (D, D))
    inp["b1"] = jnp.zeros((D,), dtype=jnp.float32)
    return inp


def reference(graph_feature, graph_targets_id, graph_targets_id_batch,
              graph_targets_value, task_emb, W_msg0, W_self0, b0,
              W_msg1, W_self1, b1):
    # cfg.kg.norm_emb = True -> F.normalize(task_emb, p=2, dim=1)
    te = task_emb / jnp.maximum(jnp.linalg.norm(task_emb, axis=1, keepdims=True), 1e-12)
    n_data = graph_feature.shape[0]
    x = jnp.concatenate([graph_feature, te], axis=0)
    N = x.shape[0]
    # edge_index = stack((id_batch, id + n_data)); bidirectional via flip
    src_f = graph_targets_id_batch
    dst_f = graph_targets_id + n_data
    src = jnp.concatenate([src_f, dst_f], axis=0)
    dst = jnp.concatenate([dst_f, src_f], axis=0)
    e = jnp.concatenate([graph_targets_value, graph_targets_value], axis=0)

    def kgconv(x, Wm, Ws, b, has_act):
        # edge-weighted message passing: gather source feats, scale by scalar
        # edge feature (dim_edge=1), scatter-add into destination nodes
        msg = jnp.take(x, src, axis=0) * e[:, None]
        agg = jax.ops.segment_sum(msg, dst, num_segments=N)
        h = agg @ Wm + x @ Ws + b
        if has_act:
            h = jax.nn.relu(h)
        return h

    # cfg.kg.layers_mp = 2; has_act on all but last layer; has_bn = False
    x = kgconv(x, W_msg0, W_self0, b0, True)
    x = kgconv(x, W_msg1, W_self1, b1, False)

    data_emb = x[:n_data]
    task_out = x[n_data:]
    pred = data_emb @ task_out.T
    return (pred, data_emb, task_out)

if __name__ == "__main__":
    import jax
    _d = setup_inputs()
    print(jax.jit(kernel)(*tuple(_d.values())))

</pallas_src>

<mosaic_0001>
#map = affine_map<(d0, d1) -> (0)>
module attributes {stable_mosaic.version = 14 : i64} {
  func.func @build_b(%arg0: i32, %arg1: i32, %arg2: memref<320000xi32, #tpu.memory_space<hbm>>, %arg3: memref<320000xf32, #tpu.memory_space<hbm>>, %arg4: memref<2560000xf32, #tpu.memory_space<hbm>>, %arg5: memref<10000xi32, #tpu.memory_space<vmem>>, %arg6: memref<10000xf32, #tpu.memory_space<vmem>>, %arg7: memref<4000xf32, #tpu.memory_space<vmem>>, %arg8: memref<1280000xf32, #tpu.memory_space<vmem_shared>>, %arg9: memref<!tpu.dma_semaphore, #tpu.memory_space<semaphore_mem>>, %arg10: memref<!tpu.dma_semaphore, #tpu.memory_space<semaphore_mem>>, %arg11: memref<!tpu.dma_semaphore, #tpu.memory_space<semaphore_mem>>) attributes {dimension_semantics = [#tpu.dimension_semantics<core_parallel>, #tpu.dimension_semantics<subcore_parallel>], iteration_bounds = array<i64: 2, 16>, scalar_prefetch = 0 : i64, scratch_operands = 7 : i64, tpu.core_type = #tpu.core_type<sc_vector_subcore>, window_params = [{transform_indices = #map}, {transform_indices = #map}, {transform_indices = #map}]} {
    %mul3A = arith.constant 16 : i32
    %mul3A_0 = arith.muli %arg0, %mul3A : i32
    %add3A = arith.addi %mul3A_0, %arg1 : i32
    %mul3A_1 = arith.constant 10000 : i32
    %mul3A_2 = arith.muli %add3A, %mul3A_1 : i32
    %dma_start3A = tpu.memref_slice %arg2[%mul3A_2] : memref<320000xi32, #tpu.memory_space<hbm>> -> memref<10000xi32, #tpu.memory_space<hbm>>
    %dma_start3A_3 = tpu.memref_slice %arg2[%mul3A_2] : memref<320000xi32, #tpu.memory_space<hbm>> -> memref<10000xi32, #tpu.memory_space<hbm>>
    tpu.enqueue_dma source(%dma_start3A_3 : memref<10000xi32, #tpu.memory_space<hbm>>) target(%arg5 : memref<10000xi32, #tpu.memory_space<vmem>>) target_semaphore(%arg9 : memref<!tpu.dma_semaphore, #tpu.memory_space<semaphore_mem>>)
    %mul3A_4 = arith.constant 10000 : i32
    %mul3A_5 = arith.muli %add3A, %mul3A_4 : i32
    %dma_start3A_6 = tpu.memref_slice %arg3[%mul3A_5] : memref<320000xf32, #tpu.memory_space<hbm>> -> memref<10000xf32, #tpu.memory_space<hbm>>
    %dma_start3A_7 = tpu.memref_slice %arg3[%mul3A_5] : memref<320000xf32, #tpu.memory_space<hbm>> -> memref<10000xf32, #tpu.memory_space<hbm>>
    tpu.enqueue_dma source(%dma_start3A_7 : memref<10000xf32, #tpu.memory_space<hbm>>) target(%arg6 : memref<10000xf32, #tpu.memory_space<vmem>>) target_semaphore(%arg9 : memref<!tpu.dma_semaphore, #tpu.memory_space<semaphore_mem>>)
    %scan3A = arith.constant 0 : i32
    %scan3A_8 = arith.constant 0 : i32
    %scan3A_9 = arith.constant 250 : i32
    %scan3A_10 = arith.addi %scan3A_8, %scan3A_9 : i32
    %scan3A_11 = arith.constant 1 : i32
    scf.for %scan3A_148 = %scan3A_8 to %scan3A_10 step %scan3A_11  : i32 {
      %broadcast_in_dim3A = arith.constant 0.000000e+00 : f32
      %broadcast_in_dim3A_149 = vector.broadcast %broadcast_in_dim3A : f32 to vector<16xf32>
      %mul3A_150 = arith.constant 16 : i32
      %mul3A_151 = arith.muli %scan3A_148, %mul3A_150 : i32
      %swap3A = arith.index_cast %mul3A_151 : i32 to index
      %swap3A_152 = tpu.vector_load %arg7[%swap3A] {strides = array<i32>} : memref<4000xf32, #tpu.memory_space<vmem>>, vector<16xf32>,
      %swap3A_153 = vector.shape_cast %swap3A_152 : vector<16xf32> to vector<16xf32>
      %swap3A_154 = vector.shape_cast %broadcast_in_dim3A_149 : vector<16xf32> to vector<16xf32>
      tpu.vector_store %arg7[%swap3A], %swap3A_154 {strides = array<i32>} : memref<4000xf32, #tpu.memory_space<vmem>>, vector<16xf32>,
    }
    %scan3A_12 = arith.constant 250 : i32
    %mul3A_13 = arith.constant 80000 : i32
    %mul3A_14 = arith.muli %arg1, %mul3A_13 : i32
    %add3A_15 = arith.constant 0 : i32
    %add3A_16 = arith.addi %mul3A_14, %add3A_15 : i32
    %dma_start3A_17 = tpu.memref_slice %arg8[%add3A_16] : memref<1280000xf32, #tpu.memory_space<vmem_shared>> -> memref<4000xf32, #tpu.memory_space<vmem_shared>>
    %dma_start3A_18 = tpu.memref_slice %arg8[%add3A_16] : memref<1280000xf32, #tpu.memory_space<vmem_shared>> -> memref<4000xf32, #tpu.memory_space<vmem_shared>>
    tpu.enqueue_dma source(%arg7 : memref<4000xf32, #tpu.memory_space<vmem>>) target(%dma_start3A_18 : memref<4000xf32, #tpu.memory_space<vmem_shared>>) target_semaphore(%arg10 : memref<!tpu.dma_semaphore, #tpu.memory_space<semaphore_mem>>)
    %add3A_19 = arith.constant 4000 : i32
    %add3A_20 = arith.addi %mul3A_14, %add3A_19 : i32
    %dma_start3A_21 = tpu.memref_slice %arg8[%add3A_20] : memref<1280000xf32, #tpu.memory_space<vmem_shared>> -> memref<4000xf32, #tpu.memory_space<vmem_shared>>
    %dma_start3A_22 = tpu.memref_slice %arg8[%add3A_20] : memref<1280000xf32, #tpu.memory_space<vmem_shared>> -> memref<4000xf32, #tpu.memory_space<vmem_shared>>
    tpu.enqueue_dma source(%arg7 : memref<4000xf32, #tpu.memory_space<vmem>>) target(%dma_start3A_22 : memref<4000xf32, #tpu.memory_space<vmem_shared>>) target_semaphore(%arg10 : memref<!tpu.dma_semaphore, #tpu.memory_space<semaphore_mem>>)
    %add3A_23 = arith.constant 8000 : i32
    %add3A_24 = arith.addi %mul3A_14, %add3A_23 : i32
    %dma_start3A_25 = tpu.memref_slice %arg8[%add3A_24] : memref<1280000xf32, #tpu.memory_space<vmem_shared>> -> memref<4000xf32, #tpu.memory_space<vmem_shared>>
    %dma_start3A_26 = tpu.memref_slice %arg8[%add3A_24] : memref<1280000xf32, #tpu.memory_space<vmem_shared>> -> memref<4000xf32, #tpu.memory_space<vmem_shared>>
    tpu.enqueue_dma source(%arg7 : memref<4000xf32, #tpu.memory_space<vmem>>) target(%dma_start3A_26 : memref<4000xf32, #tpu.memory_space<vmem_shared>>) target_semaphore(%arg10 : memref<!tpu.dma_semaphore, #tpu.memory_space<semaphore_mem>>)
    %add3A_27 = arith.constant 12000 : i32
    %add3A_28 = arith.addi %mul3A_14, %add3A_27 : i32
    %dma_start3A_29 = tpu.memref_slice %arg8[%add3A_28] : memref<1280000xf32, #tpu.memory_space<vmem_shared>> -> memref<4000xf32, #tpu.memory_space<vmem_shared>>
    %dma_start3A_30 = tpu.memref_slice %arg8[%add3A_28] : memref<1280000xf32, #tpu.memory_space<vmem_shared>> -> memref<4000xf32, #tpu.memory_space<vmem_shared>>
    tpu.enqueue_dma source(%arg7 : memref<4000xf32, #tpu.memory_space<vmem>>) target(%dma_start3A_30 : memref<4000xf32, #tpu.memory_space<vmem_shared>>) target_semaphore(%arg10 : memref<!tpu.dma_semaphore, #tpu.memory_space<semaphore_mem>>)
    %add3A_31 = arith.constant 16000 : i32
    %add3A_32 = arith.addi %mul3A_14, %add3A_31 : i32
    %dma_start3A_33 = tpu.memref_slice %arg8[%add3A_32] : memref<1280000xf32, #tpu.memory_space<vmem_shared>> -> memref<4000xf32, #tpu.memory_space<vmem_shared>>
    %dma_start3A_34 = tpu.memref_slice %arg8[%add3A_32] : memref<1280000xf32, #tpu.memory_space<vmem_shared>> -> memref<4000xf32, #tpu.memory_space<vmem_shared>>
    tpu.enqueue_dma source(%arg7 : memref<4000xf32, #tpu.memory_space<vmem>>) target(%dma_start3A_34 : memref<4000xf32, #tpu.memory_space<vmem_shared>>) target_semaphore(%arg10 : memref<!tpu.dma_semaphore, #tpu.memory_space<semaphore_mem>>)
    %add3A_35 = arith.constant 20000 : i32
    %add3A_36 = arith.addi %mul3A_14, %add3A_35 : i32
    %dma_start3A_37 = tpu.memref_slice %arg8[%add3A_36] : memref<1280000xf32, #tpu.memory_space<vmem_shared>> -> memref<4000xf32, #tpu.memory_space<vmem_shared>>
    %dma_start3A_38 = tpu.memref_slice %arg8[%add3A_36] : memref<1280000xf32, #tpu.memory_space<vmem_shared>> -> memref<4000xf32, #tpu.memory_space<vmem_shared>>
    tpu.enqueue_dma source(%arg7 : memref<4000xf32, #tpu.memory_space<vmem>>) target(%dma_start3A_38 : memref<4000xf32, #tpu.memory_space<vmem_shared>>) target_semaphore(%arg10 : memref<!tpu.dma_semaphore, #tpu.memory_space<semaphore_mem>>)
    %add3A_39 = arith.constant 24000 : i32
    %add3A_40 = arith.addi %mul3A_14, %add3A_39 : i32
    %dma_start3A_41 = tpu.memref_slice %arg8[%add3A_40] : memref<1280000xf32, #tpu.memory_space<vmem_shared>> -> memref<4000xf32, #tpu.memory_space<vmem_shared>>
    %dma_start3A_42 = tpu.memref_slice %arg8[%add3A_40] : memref<1280000xf32, #tpu.memory_space<vmem_shared>> -> memref<4000xf32, #tpu.memory_space<vmem_shared>>
    tpu.enqueue_dma source(%arg7 : memref<4000xf32, #tpu.memory_space<vmem>>) target(%dma_start3A_42 : memref<4000xf32, #tpu.memory_space<vmem_shared>>) target_semaphore(%arg10 : memref<!tpu.dma_semaphore, #tpu.memory_space<semaphore_mem>>)
    %add3A_43 = arith.constant 28000 : i32
    %add3A_44 = arith.addi %mul3A_14, %add3A_43 : i32
    %dma_start3A_45 = tpu.memref_slice %arg8[%add3A_44] : memref<1280000xf32, #tpu.memory_space<vmem_shared>> -> memref<4000xf32, #tpu.memory_space<vmem_shared>>
    %dma_start3A_46 = tpu.memref_slice %arg8[%add3A_44] : memref<1280000xf32, #tpu.memory_space<vmem_shared>> -> memref<4000xf32, #tpu.memory_space<vmem_shared>>
    tpu.enqueue_dma source(%arg7 : memref<4000xf32, #tpu.memory_space<vmem>>) target(%dma_start3A_46 : memref<4000xf32, #tpu.memory_space<vmem_shared>>) target_semaphore(%arg10 : memref<!tpu.dma_semaphore, #tpu.memory_space<semaphore_mem>>)
    %add3A_47 = arith.constant 32000 : i32
    %add3A_48 = arith.addi %mul3A_14, %add3A_47 : i32
    %dma_start3A_49 = tpu.memref_slice %arg8[%add3A_48] : memref<1280000xf32, #tpu.memory_space<vmem_shared>> -> memref<4000xf32, #tpu.memory_space<vmem_shared>>
    %dma_start3A_50 = tpu.memref_slice %arg8[%add3A_48] : memref<1280000xf32, #tpu.memory_space<vmem_shared>> -> memref<4000xf32, #tpu.memory_space<vmem_shared>>
    tpu.enqueue_dma source(%arg7 : memref<4000xf32, #tpu.memory_space<vmem>>) target(%dma_start3A_50 : memref<4000xf32, #tpu.memory_space<vmem_shared>>) target_semaphore(%arg10 : memref<!tpu.dma_semaphore, #tpu.memory_space<semaphore_mem>>)
    %add3A_51 = arith.constant 36000 : i32
    %add3A_52 = arith.addi %mul3A_14, %add3A_51 : i32
    %dma_start3A_53 = tpu.memref_slice %arg8[%add3A_52] : memref<1280000xf32, #tpu.memory_space<vmem_shared>> -> memref<4000xf32, #tpu.memory_space<vmem_shared>>
    %dma_start3A_54 = tpu.memref_slice %arg8[%add3A_52] : memref<1280000xf32, #tpu.memory_space<vmem_shared>> -> memref<4000xf32, #tpu.memory_space<vmem_shared>>
    tpu.enqueue_dma source(%arg7 : memref<4000xf32, #tpu.memory_space<vmem>>) target(%dma_start3A_54 : memref<4000xf32, #tpu.memory_space<vmem_shared>>) target_semaphore(%arg10 : memref<!tpu.dma_semaphore, #tpu.memory_space<semaphore_mem>>)
    %add3A_55 = arith.constant 40000 : i32
    %add3A_56 = arith.addi %mul3A_14, %add3A_55 : i32
    %dma_start3A_57 = tpu.memref_slice %arg8[%add3A_56] : memref<1280000xf32, #tpu.memory_space<vmem_shared>> -> memref<4000xf32, #tpu.memory_space<vmem_shared>>
    %dma_start3A_58 = tpu.memref_slice %arg8[%add3A_56] : memref<1280000xf32, #tpu.memory_space<vmem_shared>> -> memref<4000xf32, #tpu.memory_space<vmem_shared>>
    tpu.enqueue_dma source(%arg7 : memref<4000xf32, #tpu.memory_space<vmem>>) target(%dma_start3A_58 : memref<4000xf32, #tpu.memory_space<vmem_shared>>) target_semaphore(%arg10 : memref<!tpu.dma_semaphore, #tpu.memory_space<semaphore_mem>>)
    %add3A_59 = arith.constant 44000 : i32
    %add3A_60 = arith.addi %mul3A_14, %add3A_59 : i32
    %dma_start3A_61 = tpu.memref_slice %arg8[%add3A_60] : memref<1280000xf32, #tpu.memory_space<vmem_shared>> -> memref<4000xf32, #tpu.memory_space<vmem_shared>>
    %dma_start3A_62 = tpu.memref_slice %arg8[%add3A_60] : memref<1280000xf32, #tpu.memory_space<vmem_shared>> -> memref<4000xf32, #tpu.memory_space<vmem_shared>>
    tpu.enqueue_dma source(%arg7 : memref<4000xf32, #tpu.memory_space<vmem>>) target(%dma_start3A_62 : memref<4000xf32, #tpu.memory_space<vmem_shared>>) target_semaphore(%arg10 : memref<!tpu.dma_semaphore, #tpu.memory_space<semaphore_mem>>)
    %add3A_63 = arith.constant 48000 : i32
    %add3A_64 = arith.addi %mul3A_14, %add3A_63 : i32
    %dma_start3A_65 = tpu.memref_slice %arg8[%add3A_64] : memref<1280000xf32, #tpu.memory_space<vmem_shared>> -> memref<4000xf32, #tpu.memory_space<vmem_shared>>
    %dma_start3A_66 = tpu.memref_slice %arg8[%add3A_64] : memref<1280000xf32, #tpu.memory_space<vmem_shared>> -> memref<4000xf32, #tpu.memory_space<vmem_shared>>
    tpu.enqueue_dma source(%arg7 : memref<4000xf32, #tpu.memory_space<vmem>>) target(%dma_start3A_66 : memref<4000xf32, #tpu.memory_space<vmem_shared>>) target_semaphore(%arg10 : memref<!tpu.dma_semaphore, #tpu.memory_space<semaphore_mem>>)
    %add3A_67 = arith.constant 52000 : i32
    %add3A_68 = arith.addi %mul3A_14, %add3A_67 : i32
    %dma_start3A_69 = tpu.memref_slice %arg8[%add3A_68] : memref<1280000xf32, #tpu.memory_space<vmem_shared>> -> memref<4000xf32, #tpu.memory_space<vmem_shared>>
    %dma_start3A_70 = tpu.memref_slice %arg8[%add3A_68] : memref<1280000xf32, #tpu.memory_space<vmem_shared>> -> memref<4000xf32, #tpu.memory_space<vmem_shared>>
    tpu.enqueue_dma source(%arg7 : memref<4000xf32, #tpu.memory_space<vmem>>) target(%dma_start3A_70 : memref<4000xf32, #tpu.memory_space<vmem_shared>>) target_semaphore(%arg10 : memref<!tpu.dma_semaphore, #tpu.memory_space<semaphore_mem>>)
    %add3A_71 = arith.constant 56000 : i32
    %add3A_72 = arith.addi %mul3A_14, %add3A_71 : i32
    %dma_start3A_73 = tpu.memref_slice %arg8[%add3A_72] : memref<1280000xf32, #tpu.memory_space<vmem_shared>> -> memref<4000xf32, #tpu.memory_space<vmem_shared>>
    %dma_start3A_74 = tpu.memref_slice %arg8[%add3A_72] : memref<1280000xf32, #tpu.memory_space<vmem_shared>> -> memref<4000xf32, #tpu.memory_space<vmem_shared>>
    tpu.enqueue_dma source(%arg7 : memref<4000xf32, #tpu.memory_space<vmem>>) target(%dma_start3A_74 : memref<4000xf32, #tpu.memory_space<vmem_shared>>) target_semaphore(%arg10 : memref<!tpu.dma_semaphore, #tpu.memory_space<semaphore_mem>>)
    %add3A_75 = arith.constant 60000 : i32
    %add3A_76 = arith.addi %mul3A_14, %add3A_75 : i32
    %dma_start3A_77 = tpu.memref_slice %arg8[%add3A_76] : memref<1280000xf32, #tpu.memory_space<vmem_shared>> -> memref<4000xf32, #tpu.memory_space<vmem_shared>>
    %dma_start3A_78 = tpu.memref_slice %arg8[%add3A_76] : memref<1280000xf32, #tpu.memory_space<vmem_shared>> -> memref<4000xf32, #tpu.memory_space<vmem_shared>>
    tpu.enqueue_dma source(%arg7 : memref<4000xf32, #tpu.memory_space<vmem>>) target(%dma_start3A_78 : memref<4000xf32, #tpu.memory_space<vmem_shared>>) target_semaphore(%arg10 : memref<!tpu.dma_semaphore, #tpu.memory_space<semaphore_mem>>)
    %add3A_79 = arith.constant 64000 : i32
    %add3A_80 = arith.addi %mul3A_14, %add3A_79 : i32
    %dma_start3A_81 = tpu.memref_slice %arg8[%add3A_80] : memref<1280000xf32, #tpu.memory_space<vmem_shared>> -> memref<4000xf32, #tpu.memory_space<vmem_shared>>
    %dma_start3A_82 = tpu.memref_slice %arg8[%add3A_80] : memref<1280000xf32, #tpu.memory_space<vmem_shared>> -> memref<4000xf32, #tpu.memory_space<vmem_shared>>
    tpu.enqueue_dma source(%arg7 : memref<4000xf32, #tpu.memory_space<vmem>>) target(%dma_start3A_82 : memref<4000xf32, #tpu.memory_space<vmem_shared>>) target_semaphore(%arg10 : memref<!tpu.dma_semaphore, #tpu.memory_space<semaphore_mem>>)
    %add3A_83 = arith.constant 68000 : i32
    %add3A_84 = arith.addi %mul3A_14, %add3A_83 : i32
    %dma_start3A_85 = tpu.memref_slice %arg8[%add3A_84] : memref<1280000xf32, #tpu.memory_space<vmem_shared>> -> memref<4000xf32, #tpu.memory_space<vmem_shared>>
    %dma_start3A_86 = tpu.memref_slice %arg8[%add3A_84] : memref<1280000xf32, #tpu.memory_space<vmem_shared>> -> memref<4000xf32, #tpu.memory_space<vmem_shared>>
    tpu.enqueue_dma source(%arg7 : memref<4000xf32, #tpu.memory_space<vmem>>) target(%dma_start3A_86 : memref<4000xf32, #tpu.memory_space<vmem_shared>>) target_semaphore(%arg10 : memref<!tpu.dma_semaphore, #tpu.memory_space<semaphore_mem>>)
    %add3A_87 = arith.constant 72000 : i32
    %add3A_88 = arith.addi %mul3A_14, %add3A_87 : i32
    %dma_start3A_89 = tpu.memref_slice %arg8[%add3A_88] : memref<1280000xf32, #tpu.memory_space<vmem_shared>> -> memref<4000xf32, #tpu.memory_space<vmem_shared>>
    %dma_start3A_90 = tpu.memref_slice %arg8[%add3A_88] : memref<1280000xf32, #tpu.memory_space<vmem_shared>> -> memref<4000xf32, #tpu.memory_space<vmem_shared>>
    tpu.enqueue_dma source(%arg7 : memref<4000xf32, #tpu.memory_space<vmem>>) target(%dma_start3A_90 : memref<4000xf32, #tpu.memory_space<vmem_shared>>) target_semaphore(%arg10 : memref<!tpu.dma_semaphore, #tpu.memory_space<semaphore_mem>>)
    %add3A_91 = arith.constant 76000 : i32
    %add3A_92 = arith.addi %mul3A_14, %add3A_91 : i32
    %dma_start3A_93 = tpu.memref_slice %arg8[%add3A_92] : memref<1280000xf32, #tpu.memory_space<vmem_shared>> -> memref<4000xf32, #tpu.memory_space<vmem_shared>>
    %dma_start3A_94 = tpu.memref_slice %arg8[%add3A_92] : memref<1280000xf32, #tpu.memory_space<vmem_shared>> -> memref<4000xf32, #tpu.memory_space<vmem_shared>>
    tpu.enqueue_dma source(%arg7 : memref<4000xf32, #tpu.memory_space<vmem>>) target(%dma_start3A_94 : memref<4000xf32, #tpu.memory_space<vmem_shared>>) target_semaphore(%arg10 : memref<!tpu.dma_semaphore, #tpu.memory_space<semaphore_mem>>)
    %dma_wait3A = tpu.memref_slice %arg2[%mul3A_2] : memref<320000xi32, #tpu.memory_space<hbm>> -> memref<10000xi32, #tpu.memory_space<hbm>>
    %dma_wait3A_95 = tpu.memref_slice %arg2[%mul3A_2] : memref<320000xi32, #tpu.memory_space<hbm>> -> memref<10000xi32, #tpu.memory_space<hbm>>
    tpu.wait_dma2 semaphore(%arg9 : memref<!tpu.dma_semaphore, #tpu.memory_space<semaphore_mem>>) src(%dma_wait3A_95 : memref<10000xi32, #tpu.memory_space<hbm>>) dst(%arg5 : memref<10000xi32, #tpu.memory_space<vmem>>)
    %dma_wait3A_96 = tpu.memref_slice %arg3[%mul3A_5] : memref<320000xf32, #tpu.memory_space<hbm>> -> memref<10000xf32, #tpu.memory_space<hbm>>
    %dma_wait3A_97 = tpu.memref_slice %arg3[%mul3A_5] : memref<320000xf32, #tpu.memory_space<hbm>> -> memref<10000xf32, #tpu.memory_space<hbm>>
    tpu.wait_dma2 semaphore(%arg9 : memref<!tpu.dma_semaphore, #tpu.memory_space<semaphore_mem>>) src(%dma_wait3A_97 : memref<10000xf32, #tpu.memory_space<hbm>>) dst(%arg6 : memref<10000xf32, #tpu.memory_space<vmem>>)
    %dma_wait3A_98 = tpu.memref_slice %arg8[%add3A_16] : memref<1280000xf32, #tpu.memory_space<vmem_shared>> -> memref<4000xf32, #tpu.memory_space<vmem_shared>>
    %dma_wait3A_99 = tpu.memref_slice %arg8[%add3A_16] : memref<1280000xf32, #tpu.memory_space<vmem_shared>> -> memref<4000xf32, #tpu.memory_space<vmem_shared>>
    tpu.wait_dma2 semaphore(%arg10 : memref<!tpu.dma_semaphore, #tpu.memory_space<semaphore_mem>>) src(%arg7 : memref<4000xf32, #tpu.memory_space<vmem>>) dst(%dma_wait3A_99 : memref<4000xf32, #tpu.memory_space<vmem_shared>>)
    %dma_wait3A_100 = tpu.memref_slice %arg8[%add3A_20] : memref<1280000xf32, #tpu.memory_space<vmem_shared>> -> memref<4000xf32, #tpu.memory_space<vmem_shared>>
    %dma_wait3A_101 = tpu.memref_slice %arg8[%add3A_20] : memref<1280000xf32, #tpu.memory_space<vmem_shared>> -> memref<4000xf32, #tpu.memory_space<vmem_shared>>
    tpu.wait_dma2 semaphore(%arg10 : memref<!tpu.dma_semaphore, #tpu.memory_space<semaphore_mem>>) src(%arg7 : memref<4000xf32, #tpu.memory_space<vmem>>) dst(%dma_wait3A_101 : memref<4000xf32, #tpu.memory_space<vmem_shared>>)
    %dma_wait3A_102 = tpu.memref_slice %arg8[%add3A_24] : memref<1280000xf32, #tpu.memory_space<vmem_shared>> -> memref<4000xf32, #tpu.memory_space<vmem_shared>>
    %dma_wait3A_103 = tpu.memref_slice %arg8[%add3A_24] : memref<1280000xf32, #tpu.memory_space<vmem_shared>> -> memref<4000xf32, #tpu.memory_space<vmem_shared>>
    tpu.wait_dma2 semaphore(%arg10 : memref<!tpu.dma_semaphore, #tpu.memory_space<semaphore_mem>>) src(%arg7 : memref<4000xf32, #tpu.memory_space<vmem>>) dst(%dma_wait3A_103 : memref<4000xf32, #tpu.memory_space<vmem_shared>>)
    %dma_wait3A_104 = tpu.memref_slice %arg8[%add3A_28] : memref<1280000xf32, #tpu.memory_space<vmem_shared>> -> memref<4000xf32, #tpu.memory_space<vmem_shared>>
    %dma_wait3A_105 = tpu.memref_slice %arg8[%add3A_28] : memref<1280000xf32, #tpu.memory_space<vmem_shared>> -> memref<4000xf32, #tpu.memory_space<vmem_shared>>
    tpu.wait_dma2 semaphore(%arg10 : memref<!tpu.dma_semaphore, #tpu.memory_space<semaphore_mem>>) src(%arg7 : memref<4000xf32, #tpu.memory_space<vmem>>) dst(%dma_wait3A_105 : memref<4000xf32, #tpu.memory_space<vmem_shared>>)
    %dma_wait3A_106 = tpu.memref_slice %arg8[%add3A_32] : memref<1280000xf32, #tpu.memory_space<vmem_shared>> -> memref<4000xf32, #tpu.memory_space<vmem_shared>>
    %dma_wait3A_107 = tpu.memref_slice %arg8[%add3A_32] : memref<1280000xf32, #tpu.memory_space<vmem_shared>> -> memref<4000xf32, #tpu.memory_space<vmem_shared>>
    tpu.wait_dma2 semaphore(%arg10 : memref<!tpu.dma_semaphore, #tpu.memory_space<semaphore_mem>>) src(%arg7 : memref<4000xf32, #tpu.memory_space<vmem>>) dst(%dma_wait3A_107 : memref<4000xf32, #tpu.memory_space<vmem_shared>>)
    %dma_wait3A_108 = tpu.memref_slice %arg8[%add3A_36] : memref<1280000xf32, #tpu.memory_space<vmem_shared>> -> memref<4000xf32, #tpu.memory_space<vmem_shared>>
    %dma_wait3A_109 = tpu.memref_slice %arg8[%add3A_36] : memref<1280000xf32, #tpu.memory_space<vmem_shared>> -> memref<4000xf32, #tpu.memory_space<vmem_shared>>
    tpu.wait_dma2 semaphore(%arg10 : memref<!tpu.dma_semaphore, #tpu.memory_space<semaphore_mem>>) src(%arg7 : memref<4000xf32, #tpu.memory_space<vmem>>) dst(%dma_wait3A_109 : memref<4000xf32, #tpu.memory_space<vmem_shared>>)
    %dma_wait3A_110 = tpu.memref_slice %arg8[%add3A_40] : memref<1280000xf32, #tpu.memory_space<vmem_shared>> -> memref<4000xf32, #tpu.memory_space<vmem_shared>>
    %dma_wait3A_111 = tpu.memref_slice %arg8[%add3A_40] : memref<1280000xf32, #tpu.memory_space<vmem_shared>> -> memref<4000xf32, #tpu.memory_space<vmem_shared>>
    tpu.wait_dma2 semaphore(%arg10 : memref<!tpu.dma_semaphore, #tpu.memory_space<semaphore_mem>>) src(%arg7 : memref<4000xf32, #tpu.memory_space<vmem>>) dst(%dma_wait3A_111 : memref<4000xf32, #tpu.memory_space<vmem_shared>>)
    %dma_wait3A_112 = tpu.memref_slice %arg8[%add3A_44] : memref<1280000xf32, #tpu.memory_space<vmem_shared>> -> memref<4000xf32, #tpu.memory_space<vmem_shared>>
    %dma_wait3A_113 = tpu.memref_slice %arg8[%add3A_44] : memref<1280000xf32, #tpu.memory_space<vmem_shared>> -> memref<4000xf32, #tpu.memory_space<vmem_shared>>
    tpu.wait_dma2 semaphore(%arg10 : memref<!tpu.dma_semaphore, #tpu.memory_space<semaphore_mem>>) src(%arg7 : memref<4000xf32, #tpu.memory_space<vmem>>) dst(%dma_wait3A_113 : memref<4000xf32, #tpu.memory_space<vmem_shared>>)
    %dma_wait3A_114 = tpu.memref_slice %arg8[%add3A_48] : memref<1280000xf32, #tpu.memory_space<vmem_shared>> -> memref<4000xf32, #tpu.memory_space<vmem_shared>>
    %dma_wait3A_115 = tpu.memref_slice %arg8[%add3A_48] : memref<1280000xf32, #tpu.memory_space<vmem_shared>> -> memref<4000xf32, #tpu.memory_space<vmem_shared>>
    tpu.wait_dma2 semaphore(%arg10 : memref<!tpu.dma_semaphore, #tpu.memory_space<semaphore_mem>>) src(%arg7 : memref<4000xf32, #tpu.memory_space<vmem>>) dst(%dma_wait3A_115 : memref<4000xf32, #tpu.memory_space<vmem_shared>>)
    %dma_wait3A_116 = tpu.memref_slice %arg8[%add3A_52] : memref<1280000xf32, #tpu.memory_space<vmem_shared>> -> memref<4000xf32, #tpu.memory_space<vmem_shared>>
    %dma_wait3A_117 = tpu.memref_slice %arg8[%add3A_52] : memref<1280000xf32, #tpu.memory_space<vmem_shared>> -> memref<4000xf32, #tpu.memory_space<vmem_shared>>
    tpu.wait_dma2 semaphore(%arg10 : memref<!tpu.dma_semaphore, #tpu.memory_space<semaphore_mem>>) src(%arg7 : memref<4000xf32, #tpu.memory_space<vmem>>) dst(%dma_wait3A_117 : memref<4000xf32, #tpu.memory_space<vmem_shared>>)
    %dma_wait3A_118 = tpu.memref_slice %arg8[%add3A_56] : memref<1280000xf32, #tpu.memory_space<vmem_shared>> -> memref<4000xf32, #tpu.memory_space<vmem_shared>>
    %dma_wait3A_119 = tpu.memref_slice %arg8[%add3A_56] : memref<1280000xf32, #tpu.memory_space<vmem_shared>> -> memref<4000xf32, #tpu.memory_space<vmem_shared>>
    tpu.wait_dma2 semaphore(%arg10 : memref<!tpu.dma_semaphore, #tpu.memory_space<semaphore_mem>>) src(%arg7 : memref<4000xf32, #tpu.memory_space<vmem>>) dst(%dma_wait3A_119 : memref<4000xf32, #tpu.memory_space<vmem_shared>>)
    %dma_wait3A_120 = tpu.memref_slice %arg8[%add3A_60] : memref<1280000xf32, #tpu.memory_space<vmem_shared>> -> memref<4000xf32, #tpu.memory_space<vmem_shared>>
    %dma_wait3A_121 = tpu.memref_slice %arg8[%add3A_60] : memref<1280000xf32, #tpu.memory_space<vmem_shared>> -> memref<4000xf32, #tpu.memory_space<vmem_shared>>
    tpu.wait_dma2 semaphore(%arg10 : memref<!tpu.dma_semaphore, #tpu.memory_space<semaphore_mem>>) src(%arg7 : memref<4000xf32, #tpu.memory_space<vmem>>) dst(%dma_wait3A_121 : memref<4000xf32, #tpu.memory_space<vmem_shared>>)
    %dma_wait3A_122 = tpu.memref_slice %arg8[%add3A_64] : memref<1280000xf32, #tpu.memory_space<vmem_shared>> -> memref<4000xf32, #tpu.memory_space<vmem_shared>>
    %dma_wait3A_123 = tpu.memref_slice %arg8[%add3A_64] : memref<1280000xf32, #tpu.memory_space<vmem_shared>> -> memref<4000xf32, #tpu.memory_space<vmem_shared>>
    tpu.wait_dma2 semaphore(%arg10 : memref<!tpu.dma_semaphore, #tpu.memory_space<semaphore_mem>>) src(%arg7 : memref<4000xf32, #tpu.memory_space<vmem>>) dst(%dma_wait3A_123 : memref<4000xf32, #tpu.memory_space<vmem_shared>>)
    %dma_wait3A_124 = tpu.memref_slice %arg8[%add3A_68] : memref<1280000xf32, #tpu.memory_space<vmem_shared>> -> memref<4000xf32, #tpu.memory_space<vmem_shared>>
    %dma_wait3A_125 = tpu.memref_slice %arg8[%add3A_68] : memref<1280000xf32, #tpu.memory_space<vmem_shared>> -> memref<4000xf32, #tpu.memory_space<vmem_shared>>
    tpu.wait_dma2 semaphore(%arg10 : memref<!tpu.dma_semaphore, #tpu.memory_space<semaphore_mem>>) src(%arg7 : memref<4000xf32, #tpu.memory_space<vmem>>) dst(%dma_wait3A_125 : memref<4000xf32, #tpu.memory_space<vmem_shared>>)
    %dma_wait3A_126 = tpu.memref_slice %arg8[%add3A_72] : memref<1280000xf32, #tpu.memory_space<vmem_shared>> -> memref<4000xf32, #tpu.memory_space<vmem_shared>>
    %dma_wait3A_127 = tpu.memref_slice %arg8[%add3A_72] : memref<1280000xf32, #tpu.memory_space<vmem_shared>> -> memref<4000xf32, #tpu.memory_space<vmem_shared>>
    tpu.wait_dma2 semaphore(%arg10 : memref<!tpu.dma_semaphore, #tpu.memory_space<semaphore_mem>>) src(%arg7 : memref<4000xf32, #tpu.memory_space<vmem>>) dst(%dma_wait3A_127 : memref<4000xf32, #tpu.memory_space<vmem_shared>>)
    %dma_wait3A_128 = tpu.memref_slice %arg8[%add3A_76] : memref<1280000xf32, #tpu.memory_space<vmem_shared>> -> memref<4000xf32, #tpu.memory_space<vmem_shared>>
    %dma_wait3A_129 = tpu.memref_slice %arg8[%add3A_76] : memref<1280000xf32, #tpu.memory_space<vmem_shared>> -> memref<4000xf32, #tpu.memory_space<vmem_shared>>
    tpu.wait_dma2 semaphore(%arg10 : memref<!tpu.dma_semaphore, #tpu.memory_space<semaphore_mem>>) src(%arg7 : memref<4000xf32, #tpu.memory_space<vmem>>) dst(%dma_wait3A_129 : memref<4000xf32, #tpu.memory_space<vmem_shared>>)
    %dma_wait3A_130 = tpu.memref_slice %arg8[%add3A_80] : memref<1280000xf32, #tpu.memory_space<vmem_shared>> -> memref<4000xf32, #tpu.memory_space<vmem_shared>>
    %dma_wait3A_131 = tpu.memref_slice %arg8[%add3A_80] : memref<1280000xf32, #tpu.memory_space<vmem_shared>> -> memref<4000xf32, #tpu.memory_space<vmem_shared>>
    tpu.wait_dma2 semaphore(%arg10 : memref<!tpu.dma_semaphore, #tpu.memory_space<semaphore_mem>>) src(%arg7 : memref<4000xf32, #tpu.memory_space<vmem>>) dst(%dma_wait3A_131 : memref<4000xf32, #tpu.memory_space<vmem_shared>>)
    %dma_wait3A_132 = tpu.memref_slice %arg8[%add3A_84] : memref<1280000xf32, #tpu.memory_space<vmem_shared>> -> memref<4000xf32, #tpu.memory_space<vmem_shared>>
    %dma_wait3A_133 = tpu.memref_slice %arg8[%add3A_84] : memref<1280000xf32, #tpu.memory_space<vmem_shared>> -> memref<4000xf32, #tpu.memory_space<vmem_shared>>
    tpu.wait_dma2 semaphore(%arg10 : memref<!tpu.dma_semaphore, #tpu.memory_space<semaphore_mem>>) src(%arg7 : memref<4000xf32, #tpu.memory_space<vmem>>) dst(%dma_wait3A_133 : memref<4000xf32, #tpu.memory_space<vmem_shared>>)
    %dma_wait3A_134 = tpu.memref_slice %arg8[%add3A_88] : memref<1280000xf32, #tpu.memory_space<vmem_shared>> -> memref<4000xf32, #tpu.memory_space<vmem_shared>>
    %dma_wait3A_135 = tpu.memref_slice %arg8[%add3A_88] : memref<1280000xf32, #tpu.memory_space<vmem_shared>> -> memref<4000xf32, #tpu.memory_space<vmem_shared>>
    tpu.wait_dma2 semaphore(%arg10 : memref<!tpu.dma_semaphore, #tpu.memory_space<semaphore_mem>>) src(%arg7 : memref<4000xf32, #tpu.memory_space<vmem>>) dst(%dma_wait3A_135 : memref<4000xf32, #tpu.memory_space<vmem_shared>>)
    %dma_wait3A_136 = tpu.memref_slice %arg8[%add3A_92] : memref<1280000xf32, #tpu.memory_space<vmem_shared>> -> memref<4000xf32, #tpu.memory_space<vmem_shared>>
    %dma_wait3A_137 = tpu.memref_slice %arg8[%add3A_92] : memref<1280000xf32, #tpu.memory_space<vmem_shared>> -> memref<4000xf32, #tpu.memory_space<vmem_shared>>
    tpu.wait_dma2 semaphore(%arg10 : memref<!tpu.dma_semaphore, #tpu.memory_space<semaphore_mem>>) src(%arg7 : memref<4000xf32, #tpu.memory_space<vmem>>) dst(%dma_wait3A_137 : memref<4000xf32, #tpu.memory_space<vmem_shared>>)
    %barrier3A = arith.constant 0 : index
    tpu.barrier barrier_id(%barrier3A)
    %scan3A_138 = arith.constant 0 : i32
    %scan3A_139 = arith.constant 0 : i32
    %scan3A_140 = arith.constant 5 : i32
    %scan3A_141 = arith.addi %scan3A_139, %scan3A_140 : i32
    %scan3A_142 = arith.constant 1 : i32
    scf.for %scan3A_148 = %scan3A_139 to %scan3A_141 step %scan3A_142  : i32 {
      %mul3A_149 = arith.constant 25 : i32
      %mul3A_150 = arith.muli %scan3A_148, %mul3A_149 : i32
      %add3A_151 = arith.constant 0 : i32
      %add3A_152 = arith.addi %mul3A_150, %add3A_151 : i32
      %mul3A_153 = arith.constant 80 : i32
      %mul3A_154 = arith.muli %add3A_152, %mul3A_153 : i32
      %add3A_155 = arith.constant 0 : i32
      %add3A_156 = arith.addi %mul3A_150, %add3A_155 : i32
      %mul3A_157 = arith.constant 80 : i32
      %mul3A_158 = arith.muli %add3A_156, %mul3A_157 : i32
      %dma_start3A_159 = tpu.memref_slice %arg6[%mul3A_154] : memref<10000xf32, #tpu.memory_space<vmem>> -> memref<80xf32, #tpu.memory_space<vmem>>
      %dma_start3A_160 = tpu.memref_slice %arg5[%mul3A_158] : memref<10000xi32, #tpu.memory_space<vmem>> -> memref<80xi32, #tpu.memory_space<vmem>>
      %dma_start3A_161 = arith.constant 0 : i32
      %dma_start3A_162 = tpu.memref_slice %arg8[%dma_start3A_161] : memref<1280000xf32, #tpu.memory_space<vmem_shared>> -> memref<1280000xf32, #tpu.memory_space<vmem_shared>>
      tpu.enqueue_indirect_dma source(%dma_start3A_159 : memref<80xf32, #tpu.memory_space<vmem>>) target(%dma_start3A_162 : memref<1280000xf32, #tpu.memory_space<vmem_shared>>) offsets(%dma_start3A_160 : memref<80xi32, #tpu.memory_space<vmem>>) semaphore(%arg11 : memref<!tpu.dma_semaphore, #tpu.memory_space<semaphore_mem>>) {add = true}
      %add3A_163 = arith.constant 1 : i32
      %add3A_164 = arith.addi %mul3A_150, %add3A_163 : i32
      %mul3A_165 = arith.constant 80 : i32
      %mul3A_166 = arith.muli %add3A_164, %mul3A_165 : i32
      %add3A_167 = arith.constant 1 : i32
      %add3A_168 = arith.addi %mul3A_150, %add3A_167 : i32
      %mul3A_169 = arith.constant 80 : i32
      %mul3A_170 = arith.muli %add3A_168, %mul3A_169 : i32
      %dma_start3A_171 = tpu.memref_slice %arg6[%mul3A_166] : memref<10000xf32, #tpu.memory_space<vmem>> -> memref<80xf32, #tpu.memory_space<vmem>>
      %dma_start3A_172 = tpu.memref_slice %arg5[%mul3A_170] : memref<10000xi32, #tpu.memory_space<vmem>> -> memref<80xi32, #tpu.memory_space<vmem>>
      %dma_start3A_173 = arith.constant 0 : i32
      %dma_start3A_174 = tpu.memref_slice %arg8[%dma_start3A_173] : memref<1280000xf32, #tpu.memory_space<vmem_shared>> -> memref<1280000xf32, #tpu.memory_space<vmem_shared>>
      tpu.enqueue_indirect_dma source(%dma_start3A_171 : memref<80xf32, #tpu.memory_space<vmem>>) target(%dma_start3A_174 : memref<1280000xf32, #tpu.memory_space<vmem_shared>>) offsets(%dma_start3A_172 : memref<80xi32, #tpu.memory_space<vmem>>) semaphore(%arg11 : memref<!tpu.dma_semaphore, #tpu.memory_space<semaphore_mem>>) {add = true}
      %add3A_175 = arith.constant 2 : i32
      %add3A_176 = arith.addi %mul3A_150, %add3A_175 : i32
      %mul3A_177 = arith.constant 80 : i32
      %mul3A_178 = arith.muli %add3A_176, %mul3A_177 : i32
      %add3A_179 = arith.constant 2 : i32
      %add3A_180 = arith.addi %mul3A_150, %add3A_179 : i32
      %mul3A_181 = arith.constant 80 : i32
      %mul3A_182 = arith.muli %add3A_180, %mul3A_181 : i32
      %dma_start3A_183 = tpu.memref_slice %arg6[%mul3A_178] : memref<10000xf32, #tpu.memory_space<vmem>> -> memref<80xf32, #tpu.memory_space<vmem>>
      %dma_start3A_184 = tpu.memref_slice %arg5[%mul3A_182] : memref<10000xi32, #tpu.memory_space<vmem>> -> memref<80xi32, #tpu.memory_space<vmem>>
      %dma_start3A_185 = arith.constant 0 : i32
      %dma_start3A_186 = tpu.memref_slice %arg8[%dma_start3A_185] : memref<1280000xf32, #tpu.memory_space<vmem_shared>> -> memref<1280000xf32, #tpu.memory_space<vmem_shared>>
      tpu.enqueue_indirect_dma source(%dma_start3A_183 : memref<80xf32, #tpu.memory_space<vmem>>) target(%dma_start3A_186 : memref<1280000xf32, #tpu.memory_space<vmem_shared>>) offsets(%dma_start3A_184 : memref<80xi32, #tpu.memory_space<vmem>>) semaphore(%arg11 : memref<!tpu.dma_semaphore, #tpu.memory_space<semaphore_mem>>) {add = true}
      %add3A_187 = arith.constant 3 : i32
      %add3A_188 = arith.addi %mul3A_150, %add3A_187 : i32
      %mul3A_189 = arith.constant 80 : i32
      %mul3A_190 = arith.muli %add3A_188, %mul3A_189 : i32
      %add3A_191 = arith.constant 3 : i32
      %add3A_192 = arith.addi %mul3A_150, %add3A_191 : i32
      %mul3A_193 = arith.constant 80 : i32
      %mul3A_194 = arith.muli %add3A_192, %mul3A_193 : i32
      %dma_start3A_195 = tpu.memref_slice %arg6[%mul3A_190] : memref<10000xf32, #tpu.memory_space<vmem>> -> memref<80xf32, #tpu.memory_space<vmem>>
      %dma_start3A_196 = tpu.memref_slice %arg5[%mul3A_194] : memref<10000xi32, #tpu.memory_space<vmem>> -> memref<80xi32, #tpu.memory_space<vmem>>
      %dma_start3A_197 = arith.constant 0 : i32
      %dma_start3A_198 = tpu.memref_slice %arg8[%dma_start3A_197] : memref<1280000xf32, #tpu.memory_space<vmem_shared>> -> memref<1280000xf32, #tpu.memory_space<vmem_shared>>
      tpu.enqueue_indirect_dma source(%dma_start3A_195 : memref<80xf32, #tpu.memory_space<vmem>>) target(%dma_start3A_198 : memref<1280000xf32, #tpu.memory_space<vmem_shared>>) offsets(%dma_start3A_196 : memref<80xi32, #tpu.memory_space<vmem>>) semaphore(%arg11 : memref<!tpu.dma_semaphore, #tpu.memory_space<semaphore_mem>>) {add = true}
      %add3A_199 = arith.constant 4 : i32
      %add3A_200 = arith.addi %mul3A_150, %add3A_199 : i32
      %mul3A_201 = arith.constant 80 : i32
      %mul3A_202 = arith.muli %add3A_200, %mul3A_201 : i32
      %add3A_203 = arith.constant 4 : i32
      %add3A_204 = arith.addi %mul3A_150, %add3A_203 : i32
      %mul3A_205 = arith.constant 80 : i32
      %mul3A_206 = arith.muli %add3A_204, %mul3A_205 : i32
      %dma_start3A_207 = tpu.memref_slice %arg6[%mul3A_202] : memref<10000xf32, #tpu.memory_space<vmem>> -> memref<80xf32, #tpu.memory_space<vmem>>
      %dma_start3A_208 = tpu.memref_slice %arg5[%mul3A_206] : memref<10000xi32, #tpu.memory_space<vmem>> -> memref<80xi32, #tpu.memory_space<vmem>>
      %dma_start3A_209 = arith.constant 0 : i32
      %dma_start3A_210 = tpu.memref_slice %arg8[%dma_start3A_209] : memref<1280000xf32, #tpu.memory_space<vmem_shared>> -> memref<1280000xf32, #tpu.memory_space<vmem_shared>>
      tpu.enqueue_indirect_dma source(%dma_start3A_207 : memref<80xf32, #tpu.memory_space<vmem>>) target(%dma_start3A_210 : memref<1280000xf32, #tpu.memory_space<vmem_shared>>) offsets(%dma_start3A_208 : memref<80xi32, #tpu.memory_space<vmem>>) semaphore(%arg11 : memref<!tpu.dma_semaphore, #tpu.memory_space<semaphore_mem>>) {add = true}
      %add3A_211 = arith.constant 5 : i32
      %add3A_212 = arith.addi %mul3A_150, %add3A_211 : i32
      %mul3A_213 = arith.constant 80 : i32
      %mul3A_214 = arith.muli %add3A_212, %mul3A_213 : i32
      %add3A_215 = arith.constant 5 : i32
      %add3A_216 = arith.addi %mul3A_150, %add3A_215 : i32
      %mul3A_217 = arith.constant 80 : i32
      %mul3A_218 = arith.muli %add3A_216, %mul3A_217 : i32
      %dma_start3A_219 = tpu.memref_slice %arg6[%mul3A_214] : memref<10000xf32, #tpu.memory_space<vmem>> -> memref<80xf32, #tpu.memory_space<vmem>>
      %dma_start3A_220 = tpu.memref_slice %arg5[%mul3A_218] : memref<10000xi32, #tpu.memory_space<vmem>> -> memref<80xi32, #tpu.memory_space<vmem>>
      %dma_start3A_221 = arith.constant 0 : i32
      %dma_start3A_222 = tpu.memref_slice %arg8[%dma_start3A_221] : memref<1280000xf32, #tpu.memory_space<vmem_shared>> -> memref<1280000xf32, #tpu.memory_space<vmem_shared>>
      tpu.enqueue_indirect_dma source(%dma_start3A_219 : memref<80xf32, #tpu.memory_space<vmem>>) target(%dma_start3A_222 : memref<1280000xf32, #tpu.memory_space<vmem_shared>>) offsets(%dma_start3A_220 : memref<80xi32, #tpu.memory_space<vmem>>) semaphore(%arg11 : memref<!tpu.dma_semaphore, #tpu.memory_space<semaphore_mem>>) {add = true}
      %add3A_223 = arith.constant 6 : i32
      %add3A_224 = arith.addi %mul3A_150, %add3A_223 : i32
      %mul3A_225 = arith.constant 80 : i32
      %mul3A_226 = arith.muli %add3A_224, %mul3A_225 : i32
      %add3A_227 = arith.constant 6 : i32
      %add3A_228 = arith.addi %mul3A_150, %add3A_227 : i32
      %mul3A_229 = arith.constant 80 : i32
      %mul3A_230 = arith.muli %add3A_228, %mul3A_229 : i32
      %dma_start3A_231 = tpu.memref_slice %arg6[%mul3A_226] : memref<10000xf32, #tpu.memory_space<vmem>> -> memref<80xf32, #tpu.memory_space<vmem>>
      %dma_start3A_232 = tpu.memref_slice %arg5[%mul3A_230] : memref<10000xi32, #tpu.memory_space<vmem>> -> memref<80xi32, #tpu.memory_space<vmem>>
      %dma_start3A_233 = arith.constant 0 : i32
      %dma_start3A_234 = tpu.memref_slice %arg8[%dma_start3A_233] : memref<1280000xf32, #tpu.memory_space<vmem_shared>> -> memref<1280000xf32, #tpu.memory_space<vmem_shared>>
      tpu.enqueue_indirect_dma source(%dma_start3A_231 : memref<80xf32, #tpu.memory_space<vmem>>) target(%dma_start3A_234 : memref<1280000xf32, #tpu.memory_space<vmem_shared>>) offsets(%dma_start3A_232 : memref<80xi32, #tpu.memory_space<vmem>>) semaphore(%arg11 : memref<!tpu.dma_semaphore, #tpu.memory_space<semaphore_mem>>) {add = true}
      %add3A_235 = arith.constant 7 : i32
      %add3A_236 = arith.addi %mul3A_150, %add3A_235 : i32
      %mul3A_237 = arith.constant 80 : i32
      %mul3A_238 = arith.muli %add3A_236, %mul3A_237 : i32
      %add3A_239 = arith.constant 7 : i32
      %add3A_240 = arith.addi %mul3A_150, %add3A_239 : i32
      %mul3A_241 = arith.constant 80 : i32
      %mul3A_242 = arith.muli %add3A_240, %mul3A_241 : i32
      %dma_start3A_243 = tpu.memref_slice %arg6[%mul3A_238] : memref<10000xf32, #tpu.memory_space<vmem>> -> memref<80xf32, #tpu.memory_space<vmem>>
      %dma_start3A_244 = tpu.memref_slice %arg5[%mul3A_242] : memref<10000xi32, #tpu.memory_space<vmem>> -> memref<80xi32, #tpu.memory_space<vmem>>
      %dma_start3A_245 = arith.constant 0 : i32
      %dma_start3A_246 = tpu.memref_slice %arg8[%dma_start3A_245] : memref<1280000xf32, #tpu.memory_space<vmem_shared>> -> memref<1280000xf32, #tpu.memory_space<vmem_shared>>
      tpu.enqueue_indirect_dma source(%dma_start3A_243 : memref<80xf32, #tpu.memory_space<vmem>>) target(%dma_start3A_246 : memref<1280000xf32, #tpu.memory_space<vmem_shared>>) offsets(%dma_start3A_244 : memref<80xi32, #tpu.memory_space<vmem>>) semaphore(%arg11 : memref<!tpu.dma_semaphore, #tpu.memory_space<semaphore_mem>>) {add = true}
      %add3A_247 = arith.constant 8 : i32
      %add3A_248 = arith.addi %mul3A_150, %add3A_247 : i32
      %mul3A_249 = arith.constant 80 : i32
      %mul3A_250 = arith.muli %add3A_248, %mul3A_249 : i32
      %add3A_251 = arith.constant 8 : i32
      %add3A_252 = arith.addi %mul3A_150, %add3A_251 : i32
      %mul3A_253 = arith.constant 80 : i32
      %mul3A_254 = arith.muli %add3A_252, %mul3A_253 : i32
      %dma_start3A_255 = tpu.memref_slice %arg6[%mul3A_250] : memref<10000xf32, #tpu.memory_space<vmem>> -> memref<80xf32, #tpu.memory_space<vmem>>
      %dma_start3A_256 = tpu.memref_slice %arg5[%mul3A_254] : memref<10000xi32, #tpu.memory_space<vmem>> -> memref<80xi32, #tpu.memory_space<vmem>>
      %dma_start3A_257 = arith.constant 0 : i32
      %dma_start3A_258 = tpu.memref_slice %arg8[%dma_start3A_257] : memref<1280000xf32, #tpu.memory_space<vmem_shared>> -> memref<1280000xf32, #tpu.memory_space<vmem_shared>>
      tpu.enqueue_indirect_dma source(%dma_start3A_255 : memref<80xf32, #tpu.memory_space<vmem>>) target(%dma_start3A_258 : memref<1280000xf32, #tpu.memory_space<vmem_shared>>) offsets(%dma_start3A_256 : memref<80xi32, #tpu.memory_space<vmem>>) semaphore(%arg11 : memref<!tpu.dma_semaphore, #tpu.memory_space<semaphore_mem>>) {add = true}
      %add3A_259 = arith.constant 9 : i32
      %add3A_260 = arith.addi %mul3A_150, %add3A_259 : i32
      %mul3A_261 = arith.constant 80 : i32
      %mul3A_262 = arith.muli %add3A_260, %mul3A_261 : i32
      %add3A_263 = arith.constant 9 : i32
      %add3A_264 = arith.addi %mul3A_150, %add3A_263 : i32
      %mul3A_265 = arith.constant 80 : i32
      %mul3A_266 = arith.muli %add3A_264, %mul3A_265 : i32
      %dma_start3A_267 = tpu.memref_slice %arg6[%mul3A_262] : memref<10000xf32, #tpu.memory_space<vmem>> -> memref<80xf32, #tpu.memory_space<vmem>>
      %dma_start3A_268 = tpu.memref_slice %arg5[%mul3A_266] : memref<10000xi32, #tpu.memory_space<vmem>> -> memref<80xi32, #tpu.memory_space<vmem>>
      %dma_start3A_269 = arith.constant 0 : i32
      %dma_start3A_270 = tpu.memref_slice %arg8[%dma_start3A_269] : memref<1280000xf32, #tpu.memory_space<vmem_shared>> -> memref<1280000xf32, #tpu.memory_space<vmem_shared>>
      tpu.enqueue_indirect_dma source(%dma_start3A_267 : memref<80xf32, #tpu.memory_space<vmem>>) target(%dma_start3A_270 : memref<1280000xf32, #tpu.memory_space<vmem_shared>>) offsets(%dma_start3A_268 : memref<80xi32, #tpu.memory_space<vmem>>) semaphore(%arg11 : memref<!tpu.dma_semaphore, #tpu.memory_space<semaphore_mem>>) {add = true}
      %add3A_271 = arith.constant 10 : i32
      %add3A_272 = arith.addi %mul3A_150, %add3A_271 : i32
      %mul3A_273 = arith.constant 80 : i32
      %mul3A_274 = arith.muli %add3A_272, %mul3A_273 : i32
      %add3A_275 = arith.constant 10 : i32
      %add3A_276 = arith.addi %mul3A_150, %add3A_275 : i32
      %mul3A_277 = arith.constant 80 : i32
      %mul3A_278 = arith.muli %add3A_276, %mul3A_277 : i32
      %dma_start3A_279 = tpu.memref_slice %arg6[%mul3A_274] : memref<10000xf32, #tpu.memory_space<vmem>> -> memref<80xf32, #tpu.memory_space<vmem>>
      %dma_start3A_280 = tpu.memref_slice %arg5[%mul3A_278] : memref<10000xi32, #tpu.memory_space<vmem>> -> memref<80xi32, #tpu.memory_space<vmem>>
      %dma_start3A_281 = arith.constant 0 : i32
      %dma_start3A_282 = tpu.memref_slice %arg8[%dma_start3A_281] : memref<1280000xf32, #tpu.memory_space<vmem_shared>> -> memref<1280000xf32, #tpu.memory_space<vmem_shared>>
      tpu.enqueue_indirect_dma source(%dma_start3A_279 : memref<80xf32, #tpu.memory_space<vmem>>) target(%dma_start3A_282 : memref<1280000xf32, #tpu.memory_space<vmem_shared>>) offsets(%dma_start3A_280 : memref<80xi32, #tpu.memory_space<vmem>>) semaphore(%arg11 : memref<!tpu.dma_semaphore, #tpu.memory_space<semaphore_mem>>) {add = true}
      %add3A_283 = arith.constant 11 : i32
      %add3A_284 = arith.addi %mul3A_150, %add3A_283 : i32
      %mul3A_285 = arith.constant 80 : i32
      %mul3A_286 = arith.muli %add3A_284, %mul3A_285 : i32
      %add3A_287 = arith.constant 11 : i32
      %add3A_288 = arith.addi %mul3A_150, %add3A_287 : i32
      %mul3A_289 = arith.constant 80 : i32
      %mul3A_290 = arith.muli %add3A_288, %mul3A_289 : i32
      %dma_start3A_291 = tpu.memref_slice %arg6[%mul3A_286] : memref<10000xf32, #tpu.memory_space<vmem>> -> memref<80xf32, #tpu.memory_space<vmem>>
      %dma_start3A_292 = tpu.memref_slice %arg5[%mul3A_290] : memref<10000xi32, #tpu.memory_space<vmem>> -> memref<80xi32, #tpu.memory_space<vmem>>
      %dma_start3A_293 = arith.constant 0 : i32
      %dma_start3A_294 = tpu.memref_slice %arg8[%dma_start3A_293] : memref<1280000xf32, #tpu.memory_space<vmem_shared>> -> memref<1280000xf32, #tpu.memory_space<vmem_shared>>
      tpu.enqueue_indirect_dma source(%dma_start3A_291 : memref<80xf32, #tpu.memory_space<vmem>>) target(%dma_start3A_294 : memref<1280000xf32, #tpu.memory_space<vmem_shared>>) offsets(%dma_start3A_292 : memref<80xi32, #tpu.memory_space<vmem>>) semaphore(%arg11 : memref<!tpu.dma_semaphore, #tpu.memory_space<semaphore_mem>>) {add = true}
      %add3A_295 = arith.constant 12 : i32
      %add3A_296 = arith.addi %mul3A_150, %add3A_295 : i32
      %mul3A_297 = arith.constant 80 : i32
      %mul3A_298 = arith.muli %add3A_296, %mul3A_297 : i32
      %add3A_299 = arith.constant 12 : i32
      %add3A_300 = arith.addi %mul3A_150, %add3A_299 : i32
      %mul3A_301 = arith.constant 80 : i32
      %mul3A_302 = arith.muli %add3A_300, %mul3A_301 : i32
      %dma_start3A_303 = tpu.memref_slice %arg6[%mul3A_298] : memref<10000xf32, #tpu.memory_space<vmem>> -> memref<80xf32, #tpu.memory_space<vmem>>
      %dma_start3A_304 = tpu.memref_slice %arg5[%mul3A_302] : memref<10000xi32, #tpu.memory_space<vmem>> -> memref<80xi32, #tpu.memory_space<vmem>>
      %dma_start3A_305 = arith.constant 0 : i32
      %dma_start3A_306 = tpu.memref_slice %arg8[%dma_start3A_305] : memref<1280000xf32, #tpu.memory_space<vmem_shared>> -> memref<1280000xf32, #tpu.memory_space<vmem_shared>>
      tpu.enqueue_indirect_dma source(%dma_start3A_303 : memref<80xf32, #tpu.memory_space<vmem>>) target(%dma_start3A_306 : memref<1280000xf32, #tpu.memory_space<vmem_shared>>) offsets(%dma_start3A_304 : memref<80xi32, #tpu.memory_space<vmem>>) semaphore(%arg11 : memref<!tpu.dma_semaphore, #tpu.memory_space<semaphore_mem>>) {add = true}
      %add3A_307 = arith.constant 13 : i32
      %add3A_308 = arith.addi %mul3A_150, %add3A_307 : i32
      %mul3A_309 = arith.constant 80 : i32
      %mul3A_310 = arith.muli %add3A_308, %mul3A_309 : i32
      %add3A_311 = arith.constant 13 : i32
      %add3A_312 = arith.addi %mul3A_150, %add3A_311 : i32
      %mul3A_313 = arith.constant 80 : i32
      %mul3A_314 = arith.muli %add3A_312, %mul3A_313 : i32
      %dma_start3A_315 = tpu.memref_slice %arg6[%mul3A_310] : memref<10000xf32, #tpu.memory_space<vmem>> -> memref<80xf32, #tpu.memory_space<vmem>>
      %dma_start3A_316 = tpu.memref_slice %arg5[%mul3A_314] : memref<10000xi32, #tpu.memory_space<vmem>> -> memref<80xi32, #tpu.memory_space<vmem>>
      %dma_start3A_317 = arith.constant 0 : i32
      %dma_start3A_318 = tpu.memref_slice %arg8[%dma_start3A_317] : memref<1280000xf32, #tpu.memory_space<vmem_shared>> -> memref<1280000xf32, #tpu.memory_space<vmem_shared>>
      tpu.enqueue_indirect_dma source(%dma_start3A_315 : memref<80xf32, #tpu.memory_space<vmem>>) target(%dma_start3A_318 : memref<1280000xf32, #tpu.memory_space<vmem_shared>>) offsets(%dma_start3A_316 : memref<80xi32, #tpu.memory_space<vmem>>) semaphore(%arg11 : memref<!tpu.dma_semaphore, #tpu.memory_space<semaphore_mem>>) {add = true}
      %add3A_319 = arith.constant 14 : i32
      %add3A_320 = arith.addi %mul3A_150, %add3A_319 : i32
      %mul3A_321 = arith.constant 80 : i32
      %mul3A_322 = arith.muli %add3A_320, %mul3A_321 : i32
      %add3A_323 = arith.constant 14 : i32
      %add3A_324 = arith.addi %mul3A_150, %add3A_323 : i32
      %mul3A_325 = arith.constant 80 : i32
      %mul3A_326 = arith.muli %add3A_324, %mul3A_325 : i32
      %dma_start3A_327 = tpu.memref_slice %arg6[%mul3A_322] : memref<10000xf32, #tpu.memory_space<vmem>> -> memref<80xf32, #tpu.memory_space<vmem>>
      %dma_start3A_328 = tpu.memref_slice %arg5[%mul3A_326] : memref<10000xi32, #tpu.memory_space<vmem>> -> memref<80xi32, #tpu.memory_space<vmem>>
      %dma_start3A_329 = arith.constant 0 : i32
      %dma_start3A_330 = tpu.memref_slice %arg8[%dma_start3A_329] : memref<1280000xf32, #tpu.memory_space<vmem_shared>> -> memref<1280000xf32, #tpu.memory_space<vmem_shared>>
      tpu.enqueue_indirect_dma source(%dma_start3A_327 : memref<80xf32, #tpu.memory_space<vmem>>) target(%dma_start3A_330 : memref<1280000xf32, #tpu.memory_space<vmem_shared>>) offsets(%dma_start3A_328 : memref<80xi32, #tpu.memory_space<vmem>>) semaphore(%arg11 : memref<!tpu.dma_semaphore, #tpu.memory_space<semaphore_mem>>) {add = true}
      %add3A_331 = arith.constant 15 : i32
      %add3A_332 = arith.addi %mul3A_150, %add3A_331 : i32
      %mul3A_333 = arith.constant 80 : i32
      %mul3A_334 = arith.muli %add3A_332, %mul3A_333 : i32
      %add3A_335 = arith.constant 15 : i32
      %add3A_336 = arith.addi %mul3A_150, %add3A_335 : i32
      %mul3A_337 = arith.constant 80 : i32
      %mul3A_338 = arith.muli %add3A_336, %mul3A_337 : i32
      %dma_start3A_339 = tpu.memref_slice %arg6[%mul3A_334] : memref<10000xf32, #tpu.memory_space<vmem>> -> memref<80xf32, #tpu.memory_space<vmem>>
      %dma_start3A_340 = tpu.memref_slice %arg5[%mul3A_338] : memref<10000xi32, #tpu.memory_space<vmem>> -> memref<80xi32, #tpu.memory_space<vmem>>
      %dma_start3A_341 = arith.constant 0 : i32
      %dma_start3A_342 = tpu.memref_slice %arg8[%dma_start3A_341] : memref<1280000xf32, #tpu.memory_space<vmem_shared>> -> memref<1280000xf32, #tpu.memory_space<vmem_shared>>
      tpu.enqueue_indirect_dma source(%dma_start3A_339 : memref<80xf32, #tpu.memory_space<vmem>>) target(%dma_start3A_342 : memref<1280000xf32, #tpu.memory_space<vmem_shared>>) offsets(%dma_start3A_340 : memref<80xi32, #tpu.memory_space<vmem>>) semaphore(%arg11 : memref<!tpu.dma_semaphore, #tpu.memory_space<semaphore_mem>>) {add = true}
      %add3A_343 = arith.constant 16 : i32
      %add3A_344 = arith.addi %mul3A_150, %add3A_343 : i32
      %mul3A_345 = arith.constant 80 : i32
      %mul3A_346 = arith.muli %add3A_344, %mul3A_345 : i32
      %add3A_347 = arith.constant 16 : i32
      %add3A_348 = arith.addi %mul3A_150, %add3A_347 : i32
      %mul3A_349 = arith.constant 80 : i32
      %mul3A_350 = arith.muli %add3A_348, %mul3A_349 : i32
      %dma_start3A_351 = tpu.memref_slice %arg6[%mul3A_346] : memref<10000xf32, #tpu.memory_space<vmem>> -> memref<80xf32, #tpu.memory_space<vmem>>
      %dma_start3A_352 = tpu.memref_slice %arg5[%mul3A_350] : memref<10000xi32, #tpu.memory_space<vmem>> -> memref<80xi32, #tpu.memory_space<vmem>>
      %dma_start3A_353 = arith.constant 0 : i32
      %dma_start3A_354 = tpu.memref_slice %arg8[%dma_start3A_353] : memref<1280000xf32, #tpu.memory_space<vmem_shared>> -> memref<1280000xf32, #tpu.memory_space<vmem_shared>>
      tpu.enqueue_indirect_dma source(%dma_start3A_351 : memref<80xf32, #tpu.memory_space<vmem>>) target(%dma_start3A_354 : memref<1280000xf32, #tpu.memory_space<vmem_shared>>) offsets(%dma_start3A_352 : memref<80xi32, #tpu.memory_space<vmem>>) semaphore(%arg11 : memref<!tpu.dma_semaphore, #tpu.memory_space<semaphore_mem>>) {add = true}
      %add3A_355 = arith.constant 17 : i32
      %add3A_356 = arith.addi %mul3A_150, %add3A_355 : i32
      %mul3A_357 = arith.constant 80 : i32
      %mul3A_358 = arith.muli %add3A_356, %mul3A_357 : i32
      %add3A_359 = arith.constant 17 : i32
      %add3A_360 = arith.addi %mul3A_150, %add3A_359 : i32
      %mul3A_361 = arith.constant 80 : i32
      %mul3A_362 = arith.muli %add3A_360, %mul3A_361 : i32
      %dma_start3A_363 = tpu.memref_slice %arg6[%mul3A_358] : memref<10000xf32, #tpu.memory_space<vmem>> -> memref<80xf32, #tpu.memory_space<vmem>>
      %dma_start3A_364 = tpu.memref_slice %arg5[%mul3A_362] : memref<10000xi32, #tpu.memory_space<vmem>> -> memref<80xi32, #tpu.memory_space<vmem>>
      %dma_start3A_365 = arith.constant 0 : i32
      %dma_start3A_366 = tpu.memref_slice %arg8[%dma_start3A_365] : memref<1280000xf32, #tpu.memory_space<vmem_shared>> -> memref<1280000xf32, #tpu.memory_space<vmem_shared>>
      tpu.enqueue_indirect_dma source(%dma_start3A_363 : memref<80xf32, #tpu.memory_space<vmem>>) target(%dma_start3A_366 : memref<1280000xf32, #tpu.memory_space<vmem_shared>>) offsets(%dma_start3A_364 : memref<80xi32, #tpu.memory_space<vmem>>) semaphore(%arg11 : memref<!tpu.dma_semaphore, #tpu.memory_space<semaphore_mem>>) {add = true}
      %add3A_367 = arith.constant 18 : i32
      %add3A_368 = arith.addi %mul3A_150, %add3A_367 : i32
      %mul3A_369 = arith.constant 80 : i32
      %mul3A_370 = arith.muli %add3A_368, %mul3A_369 : i32
      %add3A_371 = arith.constant 18 : i32
      %add3A_372 = arith.addi %mul3A_150, %add3A_371 : i32
      %mul3A_373 = arith.constant 80 : i32
      %mul3A_374 = arith.muli %add3A_372, %mul3A_373 : i32
      %dma_start3A_375 = tpu.memref_slice %arg6[%mul3A_370] : memref<10000xf32, #tpu.memory_space<vmem>> -> memref<80xf32, #tpu.memory_space<vmem>>
      %dma_start3A_376 = tpu.memref_slice %arg5[%mul3A_374] : memref<10000xi32, #tpu.memory_space<vmem>> -> memref<80xi32, #tpu.memory_space<vmem>>
      %dma_start3A_377 = arith.constant 0 : i32
      %dma_start3A_378 = tpu.memref_slice %arg8[%dma_start3A_377] : memref<1280000xf32, #tpu.memory_space<vmem_shared>> -> memref<1280000xf32, #tpu.memory_space<vmem_shared>>
      tpu.enqueue_indirect_dma source(%dma_start3A_375 : memref<80xf32, #tpu.memory_space<vmem>>) target(%dma_start3A_378 : memref<1280000xf32, #tpu.memory_space<vmem_shared>>) offsets(%dma_start3A_376 : memref<80xi32, #tpu.memory_space<vmem>>) semaphore(%arg11 : memref<!tpu.dma_semaphore, #tpu.memory_space<semaphore_mem>>) {add = true}
      %add3A_379 = arith.constant 19 : i32
      %add3A_380 = arith.addi %mul3A_150, %add3A_379 : i32
      %mul3A_381 = arith.constant 80 : i32
      %mul3A_382 = arith.muli %add3A_380, %mul3A_381 : i32
      %add3A_383 = arith.constant 19 : i32
      %add3A_384 = arith.addi %mul3A_150, %add3A_383 : i32
      %mul3A_385 = arith.constant 80 : i32
      %mul3A_386 = arith.muli %add3A_384, %mul3A_385 : i32
      %dma_start3A_387 = tpu.memref_slice %arg6[%mul3A_382] : memref<10000xf32, #tpu.memory_space<vmem>> -> memref<80xf32, #tpu.memory_space<vmem>>
      %dma_start3A_388 = tpu.memref_slice %arg5[%mul3A_386] : memref<10000xi32, #tpu.memory_space<vmem>> -> memref<80xi32, #tpu.memory_space<vmem>>
      %dma_start3A_389 = arith.constant 0 : i32
      %dma_start3A_390 = tpu.memref_slice %arg8[%dma_start3A_389] : memref<1280000xf32, #tpu.memory_space<vmem_shared>> -> memref<1280000xf32, #tpu.memory_space<vmem_shared>>
      tpu.enqueue_indirect_dma source(%dma_start3A_387 : memref<80xf32, #tpu.memory_space<vmem>>) target(%dma_start3A_390 : memref<1280000xf32, #tpu.memory_space<vmem_shared>>) offsets(%dma_start3A_388 : memref<80xi32, #tpu.memory_space<vmem>>) semaphore(%arg11 : memref<!tpu.dma_semaphore, #tpu.memory_space<semaphore_mem>>) {add = true}
      %add3A_391 = arith.constant 20 : i32
      %add3A_392 = arith.addi %mul3A_150, %add3A_391 : i32
      %mul3A_393 = arith.constant 80 : i32
      %mul3A_394 = arith.muli %add3A_392, %mul3A_393 : i32
      %add3A_395 = arith.constant 20 : i32
      %add3A_396 = arith.addi %mul3A_150, %add3A_395 : i32
      %mul3A_397 = arith.constant 80 : i32
      %mul3A_398 = arith.muli %add3A_396, %mul3A_397 : i32
      %dma_start3A_399 = tpu.memref_slice %arg6[%mul3A_394] : memref<10000xf32, #tpu.memory_space<vmem>> -> memref<80xf32, #tpu.memory_space<vmem>>
      %dma_start3A_400 = tpu.memref_slice %arg5[%mul3A_398] : memref<10000xi32, #tpu.memory_space<vmem>> -> memref<80xi32, #tpu.memory_space<vmem>>
      %dma_start3A_401 = arith.constant 0 : i32
      %dma_start3A_402 = tpu.memref_slice %arg8[%dma_start3A_401] : memref<1280000xf32, #tpu.memory_space<vmem_shared>> -> memref<1280000xf32, #tpu.memory_space<vmem_shared>>
      tpu.enqueue_indirect_dma source(%dma_start3A_399 : memref<80xf32, #tpu.memory_space<vmem>>) target(%dma_start3A_402 : memref<1280000xf32, #tpu.memory_space<vmem_shared>>) offsets(%dma_start3A_400 : memref<80xi32, #tpu.memory_space<vmem>>) semaphore(%arg11 : memref<!tpu.dma_semaphore, #tpu.memory_space<semaphore_mem>>) {add = true}
      %add3A_403 = arith.constant 21 : i32
      %add3A_404 = arith.addi %mul3A_150, %add3A_403 : i32
      %mul3A_405 = arith.constant 80 : i32
      %mul3A_406 = arith.muli %add3A_404, %mul3A_405 : i32
      %add3A_407 = arith.constant 21 : i32
      %add3A_408 = arith.addi %mul3A_150, %add3A_407 : i32
      %mul3A_409 = arith.constant 80 : i32
      %mul3A_410 = arith.muli %add3A_408, %mul3A_409 : i32
      %dma_start3A_411 = tpu.memref_slice %arg6[%mul3A_406] : memref<10000xf32, #tpu.memory_space<vmem>> -> memref<80xf32, #tpu.memory_space<vmem>>
      %dma_start3A_412 = tpu.memref_slice %arg5[%mul3A_410] : memref<10000xi32, #tpu.memory_space<vmem>> -> memref<80xi32, #tpu.memory_space<vmem>>
      %dma_start3A_413 = arith.constant 0 : i32
      %dma_start3A_414 = tpu.memref_slice %arg8[%dma_start3A_413] : memref<1280000xf32, #tpu.memory_space<vmem_shared>> -> memref<1280000xf32, #tpu.memory_space<vmem_shared>>
      tpu.enqueue_indirect_dma source(%dma_start3A_411 : memref<80xf32, #tpu.memory_space<vmem>>) target(%dma_start3A_414 : memref<1280000xf32, #tpu.memory_space<vmem_shared>>) offsets(%dma_start3A_412 : memref<80xi32, #tpu.memory_space<vmem>>) semaphore(%arg11 : memref<!tpu.dma_semaphore, #tpu.memory_space<semaphore_mem>>) {add = true}
      %add3A_415 = arith.constant 22 : i32
      %add3A_416 = arith.addi %mul3A_150, %add3A_415 : i32
      %mul3A_417 = arith.constant 80 : i32
      %mul3A_418 = arith.muli %add3A_416, %mul3A_417 : i32
      %add3A_419 = arith.constant 22 : i32
      %add3A_420 = arith.addi %mul3A_150, %add3A_419 : i32
      %mul3A_421 = arith.constant 80 : i32
      %mul3A_422 = arith.muli %add3A_420, %mul3A_421 : i32
      %dma_start3A_423 = tpu.memref_slice %arg6[%mul3A_418] : memref<10000xf32, #tpu.memory_space<vmem>> -> memref<80xf32, #tpu.memory_space<vmem>>
      %dma_start3A_424 = tpu.memref_slice %arg5[%mul3A_422] : memref<10000xi32, #tpu.memory_space<vmem>> -> memref<80xi32, #tpu.memory_space<vmem>>
      %dma_start3A_425 = arith.constant 0 : i32
      %dma_start3A_426 = tpu.memref_slice %arg8[%dma_start3A_425] : memref<1280000xf32, #tpu.memory_space<vmem_shared>> -> memref<1280000xf32, #tpu.memory_space<vmem_shared>>
      tpu.enqueue_indirect_dma source(%dma_start3A_423 : memref<80xf32, #tpu.memory_space<vmem>>) target(%dma_start3A_426 : memref<1280000xf32, #tpu.memory_space<vmem_shared>>) offsets(%dma_start3A_424 : memref<80xi32, #tpu.memory_space<vmem>>) semaphore(%arg11 : memref<!tpu.dma_semaphore, #tpu.memory_space<semaphore_mem>>) {add = true}
      %add3A_427 = arith.constant 23 : i32
      %add3A_428 = arith.addi %mul3A_150, %add3A_427 : i32
      %mul3A_429 = arith.constant 80 : i32
      %mul3A_430 = arith.muli %add3A_428, %mul3A_429 : i32
      %add3A_431 = arith.constant 23 : i32
      %add3A_432 = arith.addi %mul3A_150, %add3A_431 : i32
      %mul3A_433 = arith.constant 80 : i32
      %mul3A_434 = arith.muli %add3A_432, %mul3A_433 : i32
      %dma_start3A_435 = tpu.memref_slice %arg6[%mul3A_430] : memref<10000xf32, #tpu.memory_space<vmem>> -> memref<80xf32, #tpu.memory_space<vmem>>
      %dma_start3A_436 = tpu.memref_slice %arg5[%mul3A_434] : memref<10000xi32, #tpu.memory_space<vmem>> -> memref<80xi32, #tpu.memory_space<vmem>>
      %dma_start3A_437 = arith.constant 0 : i32
      %dma_start3A_438 = tpu.memref_slice %arg8[%dma_start3A_437] : memref<1280000xf32, #tpu.memory_space<vmem_shared>> -> memref<1280000xf32, #tpu.memory_space<vmem_shared>>
      tpu.enqueue_indirect_dma source(%dma_start3A_435 : memref<80xf32, #tpu.memory_space<vmem>>) target(%dma_start3A_438 : memref<1280000xf32, #tpu.memory_space<vmem_shared>>) offsets(%dma_start3A_436 : memref<80xi32, #tpu.memory_space<vmem>>) semaphore(%arg11 : memref<!tpu.dma_semaphore, #tpu.memory_space<semaphore_mem>>) {add = true}
      %add3A_439 = arith.constant 24 : i32
      %add3A_440 = arith.addi %mul3A_150, %add3A_439 : i32
      %mul3A_441 = arith.constant 80 : i32
      %mul3A_442 = arith.muli %add3A_440, %mul3A_441 : i32
      %add3A_443 = arith.constant 24 : i32
      %add3A_444 = arith.addi %mul3A_150, %add3A_443 : i32
      %mul3A_445 = arith.constant 80 : i32
      %mul3A_446 = arith.muli %add3A_444, %mul3A_445 : i32
      %dma_start3A_447 = tpu.memref_slice %arg6[%mul3A_442] : memref<10000xf32, #tpu.memory_space<vmem>> -> memref<80xf32, #tpu.memory_space<vmem>>
      %dma_start3A_448 = tpu.memref_slice %arg5[%mul3A_446] : memref<10000xi32, #tpu.memory_space<vmem>> -> memref<80xi32, #tpu.memory_space<vmem>>
      %dma_start3A_449 = arith.constant 0 : i32
      %dma_start3A_450 = tpu.memref_slice %arg8[%dma_start3A_449] : memref<1280000xf32, #tpu.memory_space<vmem_shared>> -> memref<1280000xf32, #tpu.memory_space<vmem_shared>>
      tpu.enqueue_indirect_dma source(%dma_start3A_447 : memref<80xf32, #tpu.memory_space<vmem>>) target(%dma_start3A_450 : memref<1280000xf32, #tpu.memory_space<vmem_shared>>) offsets(%dma_start3A_448 : memref<80xi32, #tpu.memory_space<vmem>>) semaphore(%arg11 : memref<!tpu.dma_semaphore, #tpu.memory_space<semaphore_mem>>) {add = true}
      %dma_wait3A_451 = tpu.memref_slice %arg6[%mul3A_154] : memref<10000xf32, #tpu.memory_space<vmem>> -> memref<80xf32, #tpu.memory_space<vmem>>
      %dma_wait3A_452 = tpu.memref_slice %arg5[%mul3A_158] : memref<10000xi32, #tpu.memory_space<vmem>> -> memref<80xi32, #tpu.memory_space<vmem>>
      %dma_wait3A_453 = arith.constant 0 : i32
      %dma_wait3A_454 = tpu.memref_slice %arg8[%dma_wait3A_453] : memref<1280000xf32, #tpu.memory_space<vmem_shared>> -> memref<1280000xf32, #tpu.memory_space<vmem_shared>>
      tpu.wait_indirect_dma semaphore(%arg11 : memref<!tpu.dma_semaphore, #tpu.memory_space<semaphore_mem>>) src(%dma_wait3A_451 : memref<80xf32, #tpu.memory_space<vmem>>) dst(%dma_wait3A_454 : memref<1280000xf32, #tpu.memory_space<vmem_shared>>)
      %dma_wait3A_455 = tpu.memref_slice %arg6[%mul3A_166] : memref<10000xf32, #tpu.memory_space<vmem>> -> memref<80xf32, #tpu.memory_space<vmem>>
      %dma_wait3A_456 = tpu.memref_slice %arg5[%mul3A_170] : memref<10000xi32, #tpu.memory_space<vmem>> -> memref<80xi32, #tpu.memory_space<vmem>>
      %dma_wait3A_457 = arith.constant 0 : i32
      %dma_wait3A_458 = tpu.memref_slice %arg8[%dma_wait3A_457] : memref<1280000xf32, #tpu.memory_space<vmem_shared>> -> memref<1280000xf32, #tpu.memory_space<vmem_shared>>
      tpu.wait_indirect_dma semaphore(%arg11 : memref<!tpu.dma_semaphore, #tpu.memory_space<semaphore_mem>>) src(%dma_wait3A_455 : memref<80xf32, #tpu.memory_space<vmem>>) dst(%dma_wait3A_458 : memref<1280000xf32, #tpu.memory_space<vmem_shared>>)
      %dma_wait3A_459 = tpu.memref_slice %arg6[%mul3A_178] : memref<10000xf32, #tpu.memory_space<vmem>> -> memref<80xf32, #tpu.memory_space<vmem>>
      %dma_wait3A_460 = tpu.memref_slice %arg5[%mul3A_182] : memref<10000xi32, #tpu.memory_space<vmem>> -> memref<80xi32, #tpu.memory_space<vmem>>
      %dma_wait3A_461 = arith.constant 0 : i32
      %dma_wait3A_462 = tpu.memref_slice %arg8[%dma_wait3A_461] : memref<1280000xf32, #tpu.memory_space<vmem_shared>> -> memref<1280000xf32, #tpu.memory_space<vmem_shared>>
      tpu.wait_indirect_dma semaphore(%arg11 : memref<!tpu.dma_semaphore, #tpu.memory_space<semaphore_mem>>) src(%dma_wait3A_459 : memref<80xf32, #tpu.memory_space<vmem>>) dst(%dma_wait3A_462 : memref<1280000xf32, #tpu.memory_space<vmem_shared>>)
      %dma_wait3A_463 = tpu.memref_slice %arg6[%mul3A_190] : memref<10000xf32, #tpu.memory_space<vmem>> -> memref<80xf32, #tpu.memory_space<vmem>>
      %dma_wait3A_464 = tpu.memref_slice %arg5[%mul3A_194] : memref<10000xi32, #tpu.memory_space<vmem>> -> memref<80xi32, #tpu.memory_space<vmem>>
      %dma_wait3A_465 = arith.constant 0 : i32
      %dma_wait3A_466 = tpu.memref_slice %arg8[%dma_wait3A_465] : memref<1280000xf32, #tpu.memory_space<vmem_shared>> -> memref<1280000xf32, #tpu.memory_space<vmem_shared>>
      tpu.wait_indirect_dma semaphore(%arg11 : memref<!tpu.dma_semaphore, #tpu.memory_space<semaphore_mem>>) src(%dma_wait3A_463 : memref<80xf32, #tpu.memory_space<vmem>>) dst(%dma_wait3A_466 : memref<1280000xf32, #tpu.memory_space<vmem_shared>>)
      %dma_wait3A_467 = tpu.memref_slice %arg6[%mul3A_202] : memref<10000xf32, #tpu.memory_space<vmem>> -> memref<80xf32, #tpu.memory_space<vmem>>
      %dma_wait3A_468 = tpu.memref_slice %arg5[%mul3A_206] : memref<10000xi32, #tpu.memory_space<vmem>> -> memref<80xi32, #tpu.memory_space<vmem>>
      %dma_wait3A_469 = arith.constant 0 : i32
      %dma_wait3A_470 = tpu.memref_slice %arg8[%dma_wait3A_469] : memref<1280000xf32, #tpu.memory_space<vmem_shared>> -> memref<1280000xf32, #tpu.memory_space<vmem_shared>>
      tpu.wait_indirect_dma semaphore(%arg11 : memref<!tpu.dma_semaphore, #tpu.memory_space<semaphore_mem>>) src(%dma_wait3A_467 : memref<80xf32, #tpu.memory_space<vmem>>) dst(%dma_wait3A_470 : memref<1280000xf32, #tpu.memory_space<vmem_shared>>)
      %dma_wait3A_471 = tpu.memref_slice %arg6[%mul3A_214] : memref<10000xf32, #tpu.memory_space<vmem>> -> memref<80xf32, #tpu.memory_space<vmem>>
      %dma_wait3A_472 = tpu.memref_slice %arg5[%mul3A_218] : memref<10000xi32, #tpu.memory_space<vmem>> -> memref<80xi32, #tpu.memory_space<vmem>>
      %dma_wait3A_473 = arith.constant 0 : i32
      %dma_wait3A_474 = tpu.memref_slice %arg8[%dma_wait3A_473] : memref<1280000xf32, #tpu.memory_space<vmem_shared>> -> memref<1280000xf32, #tpu.memory_space<vmem_shared>>
      tpu.wait_indirect_dma semaphore(%arg11 : memref<!tpu.dma_semaphore, #tpu.memory_space<semaphore_mem>>) src(%dma_wait3A_471 : memref<80xf32, #tpu.memory_space<vmem>>) dst(%dma_wait3A_474 : memref<1280000xf32, #tpu.memory_space<vmem_shared>>)
      %dma_wait3A_475 = tpu.memref_slice %arg6[%mul3A_226] : memref<10000xf32, #tpu.memory_space<vmem>> -> memref<80xf32, #tpu.memory_space<vmem>>
      %dma_wait3A_476 = tpu.memref_slice %arg5[%mul3A_230] : memref<10000xi32, #tpu.memory_space<vmem>> -> memref<80xi32, #tpu.memory_space<vmem>>
      %dma_wait3A_477 = arith.constant 0 : i32
      %dma_wait3A_478 = tpu.memref_slice %arg8[%dma_wait3A_477] : memref<1280000xf32, #tpu.memory_space<vmem_shared>> -> memref<1280000xf32, #tpu.memory_space<vmem_shared>>
      tpu.wait_indirect_dma semaphore(%arg11 : memref<!tpu.dma_semaphore, #tpu.memory_space<semaphore_mem>>) src(%dma_wait3A_475 : memref<80xf32, #tpu.memory_space<vmem>>) dst(%dma_wait3A_478 : memref<1280000xf32, #tpu.memory_space<vmem_shared>>)
      %dma_wait3A_479 = tpu.memref_slice %arg6[%mul3A_238] : memref<10000xf32, #tpu.memory_space<vmem>> -> memref<80xf32, #tpu.memory_space<vmem>>
      %dma_wait3A_480 = tpu.memref_slice %arg5[%mul3A_242] : memref<10000xi32, #tpu.memory_space<vmem>> -> memref<80xi32, #tpu.memory_space<vmem>>
      %dma_wait3A_481 = arith.constant 0 : i32
      %dma_wait3A_482 = tpu.memref_slice %arg8[%dma_wait3A_481] : memref<1280000xf32, #tpu.memory_space<vmem_shared>> -> memref<1280000xf32, #tpu.memory_space<vmem_shared>>
      tpu.wait_indirect_dma semaphore(%arg11 : memref<!tpu.dma_semaphore, #tpu.memory_space<semaphore_mem>>) src(%dma_wait3A_479 : memref<80xf32, #tpu.memory_space<vmem>>) dst(%dma_wait3A_482 : memref<1280000xf32, #tpu.memory_space<vmem_shared>>)
      %dma_wait3A_483 = tpu.memref_slice %arg6[%mul3A_250] : memref<10000xf32, #tpu.memory_space<vmem>> -> memref<80xf32, #tpu.memory_space<vmem>>
      %dma_wait3A_484 = tpu.memref_slice %arg5[%mul3A_254] : memref<10000xi32, #tpu.memory_space<vmem>> -> memref<80xi32, #tpu.memory_space<vmem>>
      %dma_wait3A_485 = arith.constant 0 : i32
      %dma_wait3A_486 = tpu.memref_slice %arg8[%dma_wait3A_485] : memref<1280000xf32, #tpu.memory_space<vmem_shared>> -> memref<1280000xf32, #tpu.memory_space<vmem_shared>>
      tpu.wait_indirect_dma semaphore(%arg11 : memref<!tpu.dma_semaphore, #tpu.memory_space<semaphore_mem>>) src(%dma_wait3A_483 : memref<80xf32, #tpu.memory_space<vmem>>) dst(%dma_wait3A_486 : memref<1280000xf32, #tpu.memory_space<vmem_shared>>)
      %dma_wait3A_487 = tpu.memref_slice %arg6[%mul3A_262] : memref<10000xf32, #tpu.memory_space<vmem>> -> memref<80xf32, #tpu.memory_space<vmem>>
      %dma_wait3A_488 = tpu.memref_slice %arg5[%mul3A_266] : memref<10000xi32, #tpu.memory_space<vmem>> -> memref<80xi32, #tpu.memory_space<vmem>>
      %dma_wait3A_489 = arith.constant 0 : i32
      %dma_wait3A_490 = tpu.memref_slice %arg8[%dma_wait3A_489] : memref<1280000xf32, #tpu.memory_space<vmem_shared>> -> memref<1280000xf32, #tpu.memory_space<vmem_shared>>
      tpu.wait_indirect_dma semaphore(%arg11 : memref<!tpu.dma_semaphore, #tpu.memory_space<semaphore_mem>>) src(%dma_wait3A_487 : memref<80xf32, #tpu.memory_space<vmem>>) dst(%dma_wait3A_490 : memref<1280000xf32, #tpu.memory_space<vmem_shared>>)
      %dma_wait3A_491 = tpu.memref_slice %arg6[%mul3A_274] : memref<10000xf32, #tpu.memory_space<vmem>> -> memref<80xf32, #tpu.memory_space<vmem>>
      %dma_wait3A_492 = tpu.memref_slice %arg5[%mul3A_278] : memref<10000xi32, #tpu.memory_space<vmem>> -> memref<80xi32, #tpu.memory_space<vmem>>
      %dma_wait3A_493 = arith.constant 0 : i32
      %dma_wait3A_494 = tpu.memref_slice %arg8[%dma_wait3A_493] : memref<1280000xf32, #tpu.memory_space<vmem_shared>> -> memref<1280000xf32, #tpu.memory_space<vmem_shared>>
      tpu.wait_indirect_dma semaphore(%arg11 : memref<!tpu.dma_semaphore, #tpu.memory_space<semaphore_mem>>) src(%dma_wait3A_491 : memref<80xf32, #tpu.memory_space<vmem>>) dst(%dma_wait3A_494 : memref<1280000xf32, #tpu.memory_space<vmem_shared>>)
      %dma_wait3A_495 = tpu.memref_slice %arg6[%mul3A_286] : memref<10000xf32, #tpu.memory_space<vmem>> -> memref<80xf32, #tpu.memory_space<vmem>>
      %dma_wait3A_496 = tpu.memref_slice %arg5[%mul3A_290] : memref<10000xi32, #tpu.memory_space<vmem>> -> memref<80xi32, #tpu.memory_space<vmem>>
      %dma_wait3A_497 = arith.constant 0 : i32
      %dma_wait3A_498 = tpu.memref_slice %arg8[%dma_wait3A_497] : memref<1280000xf32, #tpu.memory_space<vmem_shared>> -> memref<1280000xf32, #tpu.memory_space<vmem_shared>>
      tpu.wait_indirect_dma semaphore(%arg11 : memref<!tpu.dma_semaphore, #tpu.memory_space<semaphore_mem>>) src(%dma_wait3A_495 : memref<80xf32, #tpu.memory_space<vmem>>) dst(%dma_wait3A_498 : memref<1280000xf32, #tpu.memory_space<vmem_shared>>)
      %dma_wait3A_499 = tpu.memref_slice %arg6[%mul3A_298] : memref<10000xf32, #tpu.memory_space<vmem>> -> memref<80xf32, #tpu.memory_space<vmem>>
      %dma_wait3A_500 = tpu.memref_slice %arg5[%mul3A_302] : memref<10000xi32, #tpu.memory_space<vmem>> -> memref<80xi32, #tpu.memory_space<vmem>>
      %dma_wait3A_501 = arith.constant 0 : i32
      %dma_wait3A_502 = tpu.memref_slice %arg8[%dma_wait3A_501] : memref<1280000xf32, #tpu.memory_space<vmem_shared>> -> memref<1280000xf32, #tpu.memory_space<vmem_shared>>
      tpu.wait_indirect_dma semaphore(%arg11 : memref<!tpu.dma_semaphore, #tpu.memory_space<semaphore_mem>>) src(%dma_wait3A_499 : memref<80xf32, #tpu.memory_space<vmem>>) dst(%dma_wait3A_502 : memref<1280000xf32, #tpu.memory_space<vmem_shared>>)
      %dma_wait3A_503 = tpu.memref_slice %arg6[%mul3A_310] : memref<10000xf32, #tpu.memory_space<vmem>> -> memref<80xf32, #tpu.memory_space<vmem>>
      %dma_wait3A_504 = tpu.memref_slice %arg5[%mul3A_314] : memref<10000xi32, #tpu.memory_space<vmem>> -> memref<80xi32, #tpu.memory_space<vmem>>
      %dma_wait3A_505 = arith.constant 0 : i32
      %dma_wait3A_506 = tpu.memref_slice %arg8[%dma_wait3A_505] : memref<1280000xf32, #tpu.memory_space<vmem_shared>> -> memref<1280000xf32, #tpu.memory_space<vmem_shared>>
      tpu.wait_indirect_dma semaphore(%arg11 : memref<!tpu.dma_semaphore, #tpu.memory_space<semaphore_mem>>) src(%dma_wait3A_503 : memref<80xf32, #tpu.memory_space<vmem>>) dst(%dma_wait3A_506 : memref<1280000xf32, #tpu.memory_space<vmem_shared>>)
      %dma_wait3A_507 = tpu.memref_slice %arg6[%mul3A_322] : memref<10000xf32, #tpu.memory_space<vmem>> -> memref<80xf32, #tpu.memory_space<vmem>>
      %dma_wait3A_508 = tpu.memref_slice %arg5[%mul3A_326] : memref<10000xi32, #tpu.memory_space<vmem>> -> memref<80xi32, #tpu.memory_space<vmem>>
      %dma_wait3A_509 = arith.constant 0 : i32
      %dma_wait3A_510 = tpu.memref_slice %arg8[%dma_wait3A_509] : memref<1280000xf32, #tpu.memory_space<vmem_shared>> -> memref<1280000xf32, #tpu.memory_space<vmem_shared>>
      tpu.wait_indirect_dma semaphore(%arg11 : memref<!tpu.dma_semaphore, #tpu.memory_space<semaphore_mem>>) src(%dma_wait3A_507 : memref<80xf32, #tpu.memory_space<vmem>>) dst(%dma_wait3A_510 : memref<1280000xf32, #tpu.memory_space<vmem_shared>>)
      %dma_wait3A_511 = tpu.memref_slice %arg6[%mul3A_334] : memref<10000xf32, #tpu.memory_space<vmem>> -> memref<80xf32, #tpu.memory_space<vmem>>
      %dma_wait3A_512 = tpu.memref_slice %arg5[%mul3A_338] : memref<10000xi32, #tpu.memory_space<vmem>> -> memref<80xi32, #tpu.memory_space<vmem>>
      %dma_wait3A_513 = arith.constant 0 : i32
      %dma_wait3A_514 = tpu.memref_slice %arg8[%dma_wait3A_513] : memref<1280000xf32, #tpu.memory_space<vmem_shared>> -> memref<1280000xf32, #tpu.memory_space<vmem_shared>>
      tpu.wait_indirect_dma semaphore(%arg11 : memref<!tpu.dma_semaphore, #tpu.memory_space<semaphore_mem>>) src(%dma_wait3A_511 : memref<80xf32, #tpu.memory_space<vmem>>) dst(%dma_wait3A_514 : memref<1280000xf32, #tpu.memory_space<vmem_shared>>)
      %dma_wait3A_515 = tpu.memref_slice %arg6[%mul3A_346] : memref<10000xf32, #tpu.memory_space<vmem>> -> memref<80xf32, #tpu.memory_space<vmem>>
      %dma_wait3A_516 = tpu.memref_slice %arg5[%mul3A_350] : memref<10000xi32, #tpu.memory_space<vmem>> -> memref<80xi32, #tpu.memory_space<vmem>>
      %dma_wait3A_517 = arith.constant 0 : i32
      %dma_wait3A_518 = tpu.memref_slice %arg8[%dma_wait3A_517] : memref<1280000xf32, #tpu.memory_space<vmem_shared>> -> memref<1280000xf32, #tpu.memory_space<vmem_shared>>
      tpu.wait_indirect_dma semaphore(%arg11 : memref<!tpu.dma_semaphore, #tpu.memory_space<semaphore_mem>>) src(%dma_wait3A_515 : memref<80xf32, #tpu.memory_space<vmem>>) dst(%dma_wait3A_518 : memref<1280000xf32, #tpu.memory_space<vmem_shared>>)
      %dma_wait3A_519 = tpu.memref_slice %arg6[%mul3A_358] : memref<10000xf32, #tpu.memory_space<vmem>> -> memref<80xf32, #tpu.memory_space<vmem>>
      %dma_wait3A_520 = tpu.memref_slice %arg5[%mul3A_362] : memref<10000xi32, #tpu.memory_space<vmem>> -> memref<80xi32, #tpu.memory_space<vmem>>
      %dma_wait3A_521 = arith.constant 0 : i32
      %dma_wait3A_522 = tpu.memref_slice %arg8[%dma_wait3A_521] : memref<1280000xf32, #tpu.memory_space<vmem_shared>> -> memref<1280000xf32, #tpu.memory_space<vmem_shared>>
      tpu.wait_indirect_dma semaphore(%arg11 : memref<!tpu.dma_semaphore, #tpu.memory_space<semaphore_mem>>) src(%dma_wait3A_519 : memref<80xf32, #tpu.memory_space<vmem>>) dst(%dma_wait3A_522 : memref<1280000xf32, #tpu.memory_space<vmem_shared>>)
      %dma_wait3A_523 = tpu.memref_slice %arg6[%mul3A_370] : memref<10000xf32, #tpu.memory_space<vmem>> -> memref<80xf32, #tpu.memory_space<vmem>>
      %dma_wait3A_524 = tpu.memref_slice %arg5[%mul3A_374] : memref<10000xi32, #tpu.memory_space<vmem>> -> memref<80xi32, #tpu.memory_space<vmem>>
      %dma_wait3A_525 = arith.constant 0 : i32
      %dma_wait3A_526 = tpu.memref_slice %arg8[%dma_wait3A_525] : memref<1280000xf32, #tpu.memory_space<vmem_shared>> -> memref<1280000xf32, #tpu.memory_space<vmem_shared>>
      tpu.wait_indirect_dma semaphore(%arg11 : memref<!tpu.dma_semaphore, #tpu.memory_space<semaphore_mem>>) src(%dma_wait3A_523 : memref<80xf32, #tpu.memory_space<vmem>>) dst(%dma_wait3A_526 : memref<1280000xf32, #tpu.memory_space<vmem_shared>>)
      %dma_wait3A_527 = tpu.memref_slice %arg6[%mul3A_382] : memref<10000xf32, #tpu.memory_space<vmem>> -> memref<80xf32, #tpu.memory_space<vmem>>
      %dma_wait3A_528 = tpu.memref_slice %arg5[%mul3A_386] : memref<10000xi32, #tpu.memory_space<vmem>> -> memref<80xi32, #tpu.memory_space<vmem>>
      %dma_wait3A_529 = arith.constant 0 : i32
      %dma_wait3A_530 = tpu.memref_slice %arg8[%dma_wait3A_529] : memref<1280000xf32, #tpu.memory_space<vmem_shared>> -> memref<1280000xf32, #tpu.memory_space<vmem_shared>>
      tpu.wait_indirect_dma semaphore(%arg11 : memref<!tpu.dma_semaphore, #tpu.memory_space<semaphore_mem>>) src(%dma_wait3A_527 : memref<80xf32, #tpu.memory_space<vmem>>) dst(%dma_wait3A_530 : memref<1280000xf32, #tpu.memory_space<vmem_shared>>)
      %dma_wait3A_531 = tpu.memref_slice %arg6[%mul3A_394] : memref<10000xf32, #tpu.memory_space<vmem>> -> memref<80xf32, #tpu.memory_space<vmem>>
      %dma_wait3A_532 = tpu.memref_slice %arg5[%mul3A_398] : memref<10000xi32, #tpu.memory_space<vmem>> -> memref<80xi32, #tpu.memory_space<vmem>>
      %dma_wait3A_533 = arith.constant 0 : i32
      %dma_wait3A_534 = tpu.memref_slice %arg8[%dma_wait3A_533] : memref<1280000xf32, #tpu.memory_space<vmem_shared>> -> memref<1280000xf32, #tpu.memory_space<vmem_shared>>
      tpu.wait_indirect_dma semaphore(%arg11 : memref<!tpu.dma_semaphore, #tpu.memory_space<semaphore_mem>>) src(%dma_wait3A_531 : memref<80xf32, #tpu.memory_space<vmem>>) dst(%dma_wait3A_534 : memref<1280000xf32, #tpu.memory_space<vmem_shared>>)
      %dma_wait3A_535 = tpu.memref_slice %arg6[%mul3A_406] : memref<10000xf32, #tpu.memory_space<vmem>> -> memref<80xf32, #tpu.memory_space<vmem>>
      %dma_wait3A_536 = tpu.memref_slice %arg5[%mul3A_410] : memref<10000xi32, #tpu.memory_space<vmem>> -> memref<80xi32, #tpu.memory_space<vmem>>
      %dma_wait3A_537 = arith.constant 0 : i32
      %dma_wait3A_538 = tpu.memref_slice %arg8[%dma_wait3A_537] : memref<1280000xf32, #tpu.memory_space<vmem_shared>> -> memref<1280000xf32, #tpu.memory_space<vmem_shared>>
      tpu.wait_indirect_dma semaphore(%arg11 : memref<!tpu.dma_semaphore, #tpu.memory_space<semaphore_mem>>) src(%dma_wait3A_535 : memref<80xf32, #tpu.memory_space<vmem>>) dst(%dma_wait3A_538 : memref<1280000xf32, #tpu.memory_space<vmem_shared>>)
      %dma_wait3A_539 = tpu.memref_slice %arg6[%mul3A_418] : memref<10000xf32, #tpu.memory_space<vmem>> -> memref<80xf32, #tpu.memory_space<vmem>>
      %dma_wait3A_540 = tpu.memref_slice %arg5[%mul3A_422] : memref<10000xi32, #tpu.memory_space<vmem>> -> memref<80xi32, #tpu.memory_space<vmem>>
      %dma_wait3A_541 = arith.constant 0 : i32
      %dma_wait3A_542 = tpu.memref_slice %arg8[%dma_wait3A_541] : memref<1280000xf32, #tpu.memory_space<vmem_shared>> -> memref<1280000xf32, #tpu.memory_space<vmem_shared>>
      tpu.wait_indirect_dma semaphore(%arg11 : memref<!tpu.dma_semaphore, #tpu.memory_space<semaphore_mem>>) src(%dma_wait3A_539 : memref<80xf32, #tpu.memory_space<vmem>>) dst(%dma_wait3A_542 : memref<1280000xf32, #tpu.memory_space<vmem_shared>>)
      %dma_wait3A_543 = tpu.memref_slice %arg6[%mul3A_430] : memref<10000xf32, #tpu.memory_space<vmem>> -> memref<80xf32, #tpu.memory_space<vmem>>
      %dma_wait3A_544 = tpu.memref_slice %arg5[%mul3A_434] : memref<10000xi32, #tpu.memory_space<vmem>> -> memref<80xi32, #tpu.memory_space<vmem>>
      %dma_wait3A_545 = arith.constant 0 : i32
      %dma_wait3A_546 = tpu.memref_slice %arg8[%dma_wait3A_545] : memref<1280000xf32, #tpu.memory_space<vmem_shared>> -> memref<1280000xf32, #tpu.memory_space<vmem_shared>>
      tpu.wait_indirect_dma semaphore(%arg11 : memref<!tpu.dma_semaphore, #tpu.memory_space<semaphore_mem>>) src(%dma_wait3A_543 : memref<80xf32, #tpu.memory_space<vmem>>) dst(%dma_wait3A_546 : memref<1280000xf32, #tpu.memory_space<vmem_shared>>)
      %dma_wait3A_547 = tpu.memref_slice %arg6[%mul3A_442] : memref<10000xf32, #tpu.memory_space<vmem>> -> memref<80xf32, #tpu.memory_space<vmem>>
      %dma_wait3A_548 = tpu.memref_slice %arg5[%mul3A_446] : memref<10000xi32, #tpu.memory_space<vmem>> -> memref<80xi32, #tpu.memory_space<vmem>>
      %dma_wait3A_549 = arith.constant 0 : i32
      %dma_wait3A_550 = tpu.memref_slice %arg8[%dma_wait3A_549] : memref<1280000xf32, #tpu.memory_space<vmem_shared>> -> memref<1280000xf32, #tpu.memory_space<vmem_shared>>
      tpu.wait_indirect_dma semaphore(%arg11 : memref<!tpu.dma_semaphore, #tpu.memory_space<semaphore_mem>>) src(%dma_wait3A_547 : memref<80xf32, #tpu.memory_space<vmem>>) dst(%dma_wait3A_550 : memref<1280000xf32, #tpu.memory_space<vmem_shared>>)
    }
    %scan3A_143 = arith.constant 5 : i32
    %barrier3A_144 = arith.constant 0 : index
    tpu.barrier barrier_id(%barrier3A_144)
    %mul3A_145 = arith.constant 1280000 : i32
    %mul3A_146 = arith.muli %arg0, %mul3A_145 : i32
    %add3A_147 = arith.addi %mul3A_146, %mul3A_14 : i32
    "tpu.region"() ({
      %run_scoped3A = tpu.sem_alloc : memref<!tpu.dma_semaphore, #tpu.memory_space<semaphore_mem>>
      %dma_start3A_148 = tpu.memref_slice %arg4[%add3A_147] : memref<2560000xf32, #tpu.memory_space<hbm>> -> memref<80000xf32, #tpu.memory_space<hbm>>
      %dma_start3A_149 = tpu.memref_slice %arg8[%mul3A_14] : memref<1280000xf32, #tpu.memory_space<vmem_shared>> -> memref<80000xf32, #tpu.memory_space<vmem_shared>>
      tpu.enqueue_dma source(%dma_start3A_149 : memref<80000xf32, #tpu.memory_space<vmem_shared>>) target(%dma_start3A_148 : memref<80000xf32, #tpu.memory_space<hbm>>) target_semaphore(%run_scoped3A : memref<!tpu.dma_semaphore, #tpu.memory_space<semaphore_mem>>)
      %dma_wait3A_150 = tpu.memref_slice %arg4[%add3A_147] : memref<2560000xf32, #tpu.memory_space<hbm>> -> memref<80000xf32, #tpu.memory_space<hbm>>
      %dma_wait3A_151 = tpu.memref_slice %arg8[%mul3A_14] : memref<1280000xf32, #tpu.memory_space<vmem_shared>> -> memref<80000xf32, #tpu.memory_space<vmem_shared>>
      tpu.wait_dma2 semaphore(%run_scoped3A : memref<!tpu.dma_semaphore, #tpu.memory_space<semaphore_mem>>) src(%dma_wait3A_151 : memref<80000xf32, #tpu.memory_space<vmem_shared>>) dst(%dma_wait3A_150 : memref<80000xf32, #tpu.memory_space<hbm>>)
      tpu.yield
    }) : () -> ()
    return
  }
}

module attributes {stable_mosaic.version = 14 : i64} {
  func.func @_dense_body(%arg0: i32, %arg1: i32, %arg2: memref<2000x128xf32, #tpu.memory_space<vmem>>, %arg3: memref<2x2000x128xf32, #tpu.memory_space<vmem>>, %arg4: memref<128x128xf32, #tpu.memory_space<vmem>>, %arg5: memref<128x128xf32, #tpu.memory_space<vmem>>, %arg6: memref<128x128xf32, #tpu.memory_space<vmem>>, %arg7: memref<1x128xf32, #tpu.memory_space<vmem>>, %arg8: memref<128x128xf32, #tpu.memory_space<vmem>>, %arg9: memref<128x128xf32, #tpu.memory_space<vmem>>, %arg10: memref<1x128xf32, #tpu.memory_space<vmem>>, %arg11: memref<2000x128xf32, #tpu.memory_space<vmem>>, %arg12: memref<2000x128xf32, #tpu.memory_space<vmem>>, %arg13: memref<128x128xf32, #tpu.memory_space<vmem>>, %arg14: memref<128x128xf32, #tpu.memory_space<vmem>>, %arg15: memref<128x128xf32, #tpu.memory_space<vmem>>, %arg16: memref<10000x128xf32, #tpu.memory_space<vmem>>, %arg17: memref<10000x128xf32, #tpu.memory_space<vmem>>, %arg18: memref<128x128xf32, #tpu.memory_space<vmem>>, %arg19: memref<128x128xf32, #tpu.memory_space<vmem>>, %arg20: memref<128x128xf32, #tpu.memory_space<vmem>>, %arg21: memref<128x128xf32, #tpu.memory_space<vmem>>, %arg22: memref<128x128xf32, #tpu.memory_space<vmem>>) attributes {dimension_semantics = [#tpu.dimension_semantics<arbitrary>, #tpu.dimension_semantics<arbitrary>], iteration_bounds = array<i64: 2, 5>, scalar_prefetch = 0 : i64, scratch_operands = 9 : i64, tpu.core_type = #tpu.core_type<tc>, window_params = [{transform_indices = @transform_0, window_bounds = array<i64: 2000, 128>}, {transform_indices = @transform_1, window_bounds = array<i64: 2, 2000, 128>}, {pipeline_mode = #tpu.pipeline_mode<synchronous>, transform_indices = @transform_2, window_bounds = array<i64: 128, 128>}, {pipeline_mode = #tpu.pipeline_mode<synchronous>, transform_indices = @transform_3, window_bounds = array<i64: 128, 128>}, {pipeline_mode = #tpu.pipeline_mode<synchronous>, transform_indices = @transform_4, window_bounds = array<i64: 128, 128>}, {pipeline_mode = #tpu.pipeline_mode<synchronous>, transform_indices = @transform_5, window_bounds = array<i64: 1, 128>}, {pipeline_mode = #tpu.pipeline_mode<synchronous>, transform_indices = @transform_6, window_bounds = array<i64: 128, 128>}, {pipeline_mode = #tpu.pipeline_mode<synchronous>, transform_indices = @transform_7, window_bounds = array<i64: 128, 128>}, {pipeline_mode = #tpu.pipeline_mode<synchronous>, transform_indices = @transform_8, window_bounds = array<i64: 1, 128>}, {transform_indices = @transform_9, window_bounds = array<i64: 2000, 128>}, {transform_indices = @transform_10, window_bounds = array<i64: 2000, 128>}, {pipeline_mode = #tpu.pipeline_mode<synchronous>, transform_indices = @transform_11, window_bounds = array<i64: 128, 128>}]} {
    %eq3A = arith.constant 0 : i32
    %eq3A_0 = arith.cmpi eq, %arg0, %eq3A : i32
    %eq3A_1 = arith.constant 0 : i32
    %eq3A_2 = arith.cmpi eq, %arg1, %eq3A_1 : i32
    %and3A = arith.andi %eq3A_0, %eq3A_2 : i1
    %convert_element_type3A = arith.extui %and3A : i1 to i32
    %cond3A = arith.constant 0 : i32
    %cond3A_3 = arith.cmpi ne, %convert_element_type3A, %cond3A : i32
    scf.if %cond3A_3 {
      %get3A = arith.constant 0 : index
      %get3A_22 = arith.constant 0 : index
      %get3A_23 = vector.load %arg4[%get3A, %get3A_22] : memref<128x128xf32, #tpu.memory_space<vmem>>, vector<128x128xf32>
      %mul3A = arith.mulf %get3A_23, %get3A_23 : vector<128x128xf32>
      %reduce_sum3A = arith.constant dense<0.000000e+00> : vector<128xf32>
      %reduce_sum3A_24 = vector.multi_reduction <add>, %mul3A, %reduce_sum3A [1] : vector<128x128xf32> to vector<128xf32>
      %broadcast_in_dim3A = vector.shape_cast %reduce_sum3A_24 : vector<128xf32> to vector<128x1xf32>
      %sqrt3A = math.sqrt %broadcast_in_dim3A : vector<128x1xf32>
      %max3A = arith.constant 9.99999996E-13 : f32
      %max3A_25 = vector.broadcast %max3A : f32 to vector<128x1xf32>
      %max3A_26 = arith.maximumf %sqrt3A, %max3A_25 : vector<128x1xf32>
      %div3A = vector.broadcast %max3A_26 : vector<128x1xf32> to vector<128x128xf32>
      %div3A_27 = arith.divf %get3A_23, %div3A : vector<128x128xf32>
      %swap3A = arith.constant 0 : index
      %swap3A_28 = arith.constant 0 : index
      %swap3A_29 = vector.load %arg14[%swap3A, %swap3A_28] : memref<128x128xf32, #tpu.memory_space<vmem>>, vector<128x128xf32>
      tpu.vector_store %arg14[%swap3A, %swap3A_28], %div3A_27 {strides = array<i32>} : memref<128x128xf32, #tpu.memory_space<vmem>>, vector<128x128xf32>,
      %get3A_30 = arith.constant 0 : index
      %get3A_31 = arith.constant 0 : index
      %get3A_32 = vector.load %arg5[%get3A_30, %get3A_31] : memref<128x128xf32, #tpu.memory_space<vmem>>, vector<128x128xf32>
      %dot_general3A = arith.constant dense<0.000000e+00> : vector<128x128xf32>
      %dot_general3A_33 = tpu.matmul %div3A_27, %get3A_32, %dot_general3A {dimension_numbers = #tpu.dot_dimension_numbers<[1], [0], [0], [1], [0, 0, 1, 1], [], []>, transpose_lhs_hint = false} : vector<128x128xf32>, vector<128x128xf32>, vector<128x128xf32> -> vector<128x128xf32>
      %swap3A_34 = arith.constant 0 : index
      %swap3A_35 = arith.constant 0 : index
      %swap3A_36 = vector.load %arg15[%swap3A_34, %swap3A_35] : memref<128x128xf32, #tpu.memory_space<vmem>>, vector<128x128xf32>
      tpu.vector_store %arg15[%swap3A_34, %swap3A_35], %dot_general3A_33 {strides = array<i32>} : memref<128x128xf32, #tpu.memory_space<vmem>>, vector<128x128xf32>,
      %broadcast_in_dim3A_37 = arith.constant 0.000000e+00 : f32
      %broadcast_in_dim3A_38 = vector.broadcast %broadcast_in_dim3A_37 : f32 to vector<128x128xf32>
      %swap3A_39 = arith.constant 0 : index
      %swap3A_40 = arith.constant 0 : index
      %swap3A_41 = vector.load %arg18[%swap3A_39, %swap3A_40] : memref<128x128xf32, #tpu.memory_space<vmem>>, vector<128x128xf32>
      tpu.vector_store %arg18[%swap3A_39, %swap3A_40], %broadcast_in_dim3A_38 {strides = array<i32>} : memref<128x128xf32, #tpu.memory_space<vmem>>, vector<128x128xf32>,
      %broadcast_in_dim3A_42 = arith.constant 0.000000e+00 : f32
      %broadcast_in_dim3A_43 = vector.broadcast %broadcast_in_dim3A_42 : f32 to vector<128x128xf32>
      %swap3A_44 = arith.constant 0 : index
      %swap3A_45 = arith.constant 0 : index
      %swap3A_46 = vector.load %arg19[%swap3A_44, %swap3A_45] : memref<128x128xf32, #tpu.memory_space<vmem>>, vector<128x128xf32>
      tpu.vector_store %arg19[%swap3A_44, %swap3A_45], %broadcast_in_dim3A_43 {strides = array<i32>} : memref<128x128xf32, #tpu.memory_space<vmem>>, vector<128x128xf32>,
    } else {
    }
    %eq3A_4 = arith.constant 0 : i32
    %eq3A_5 = arith.cmpi eq, %arg0, %eq3A_4 : i32
    %convert_element_type3A_6 = arith.extui %eq3A_5 : i1 to i32
    %cond3A_7 = arith.constant 0 : i32
    %cond3A_8 = arith.cmpi ne, %convert_element_type3A_6, %cond3A_7 : i32
    scf.if %cond3A_8 {
      %get3A = arith.constant 0 : index
      %get3A_22 = arith.constant 0 : index
      %get3A_23 = arith.constant 0 : index
      %get3A_24 = vector.load %arg3[%get3A, %get3A_22, %get3A_23] : memref<2x2000x128xf32, #tpu.memory_space<vmem>>, vector<1x2000x128xf32>
      %get3A_25 = vector.shape_cast %get3A_24 : vector<1x2000x128xf32> to vector<2000x128xf32>
      %get3A_26 = arith.constant 1 : index
      %get3A_27 = arith.constant 0 : index
      %get3A_28 = arith.constant 0 : index
      %get3A_29 = vector.load %arg3[%get3A_26, %get3A_27, %get3A_28] : memref<2x2000x128xf32, #tpu.memory_space<vmem>>, vector<1x2000x128xf32>
      %get3A_30 = vector.shape_cast %get3A_29 : vector<1x2000x128xf32> to vector<2000x128xf32>
      %add3A = arith.addf %get3A_25, %get3A_30 : vector<2000x128xf32>
      %mul3A = arith.constant 2000 : i32
      %mul3A_31 = arith.muli %arg1, %mul3A : i32
      %swap3A = arith.index_cast %mul3A_31 : i32 to index
      %swap3A_32 = arith.constant 0 : index
      %swap3A_33 = vector.load %arg16[%swap3A, %swap3A_32] : memref<10000x128xf32, #tpu.memory_space<vmem>>, vector<2000x128xf32>
      tpu.vector_store %arg16[%swap3A, %swap3A_32], %add3A {strides = array<i32>} : memref<10000x128xf32, #tpu.memory_space<vmem>>, vector<2000x128xf32>,
      %get3A_34 = arith.constant 0 : index
      %get3A_35 = arith.constant 0 : index
      %get3A_36 = vector.load %arg2[%get3A_34, %get3A_35] : memref<2000x128xf32, #tpu.memory_space<vmem>>, vector<2000x128xf32>
      %get3A_37 = arith.constant 0 : index
      %get3A_38 = arith.constant 0 : index
      %get3A_39 = vector.load %arg15[%get3A_37, %get3A_38] : memref<128x128xf32, #tpu.memory_space<vmem>>, vector<128x128xf32>
      %dot_general3A = arith.constant dense<0.000000e+00> : vector<2000x128xf32>
      %dot_general3A_40 = tpu.matmul %add3A, %get3A_39, %dot_general3A {dimension_numbers = #tpu.dot_dimension_numbers<[1], [0], [0], [1], [0, 0, 1, 1], [], []>, transpose_lhs_hint = false} : vector<2000x128xf32>, vector<128x128xf32>, vector<2000x128xf32> -> vector<2000x128xf32>
      %get3A_41 = arith.constant 0 : index
      %get3A_42 = arith.constant 0 : index
      %get3A_43 = vector.load %arg6[%get3A_41, %get3A_42] : memref<128x128xf32, #tpu.memory_space<vmem>>, vector<128x128xf32>
      %dot_general3A_44 = arith.constant dense<0.000000e+00> : vector<2000x128xf32>
      %dot_general3A_45 = tpu.matmul %get3A_36, %get3A_43, %dot_general3A_44 {dimension_numbers = #tpu.dot_dimension_numbers<[1], [0], [0], [1], [0, 0, 1, 1], [], []>, transpose_lhs_hint = false} : vector<2000x128xf32>, vector<128x128xf32>, vector<2000x128xf32> -> vector<2000x128xf32>
      %add3A_46 = arith.addf %dot_general3A_40, %dot_general3A_45 : vector<2000x128xf32>
      %get3A_47 = arith.constant 0 : index
      %get3A_48 = arith.constant 0 : index
      %get3A_49 = vector.load %arg7[%get3A_47, %get3A_48] : memref<1x128xf32, #tpu.memory_space<vmem>>, vector<1x128xf32>
      %add3A_50 = vector.broadcast %get3A_49 : vector<1x128xf32> to vector<2000x128xf32>
      %add3A_51 = arith.addf %add3A_46, %add3A_50 : vector<2000x128xf32>
      %max3A = arith.constant 0.000000e+00 : f32
      %max3A_52 = vector.broadcast %max3A : f32 to vector<2000x128xf32>
      %max3A_53 = arith.maximumf %add3A_51, %max3A_52 : vector<2000x128xf32>
      %swap3A_54 = arith.index_cast %mul3A_31 : i32 to index
      %swap3A_55 = arith.constant 0 : index
      %swap3A_56 = vector.load %arg17[%swap3A_54, %swap3A_55] : memref<10000x128xf32, #tpu.memory_space<vmem>>, vector<2000x128xf32>
      tpu.vector_store %arg17[%swap3A_54, %swap3A_55], %max3A_53 {strides = array<i32>} : memref<10000x128xf32, #tpu.memory_space<vmem>>, vector<2000x128xf32>,
      %get3A_57 = arith.constant 0 : index
      %get3A_58 = arith.constant 0 : index
      %get3A_59 = vector.load %arg18[%get3A_57, %get3A_58] : memref<128x128xf32, #tpu.memory_space<vmem>>, vector<128x128xf32>
      %dot_general3A_60 = arith.constant dense<0.000000e+00> : vector<128x128xf32>
      %dot_general3A_61 = tpu.matmul %add3A, %get3A_36, %dot_general3A_60 {dimension_numbers = #tpu.dot_dimension_numbers<[0], [0], [1], [1], [0, 1, 1, 1], [], []>, transpose_lhs_hint = false} : vector<2000x128xf32>, vector<2000x128xf32>, vector<128x128xf32> -> vector<128x128xf32>
      %add3A_62 = arith.addf %get3A_59, %dot_general3A_61 : vector<128x128xf32>
      %swap3A_63 = arith.constant 0 : index
      %swap3A_64 = arith.constant 0 : index
      %swap3A_65 = vector.load %arg18[%swap3A_63, %swap3A_64] : memref<128x128xf32, #tpu.memory_space<vmem>>, vector<128x128xf32>
      tpu.vector_store %arg18[%swap3A_63, %swap3A_64], %add3A_62 {strides = array<i32>} : memref<128x128xf32, #tpu.memory_space<vmem>>, vector<128x128xf32>,
      %get3A_66 = arith.constant 0 : index
      %get3A_67 = arith.constant 0 : index
      %get3A_68 = vector.load %arg19[%get3A_66, %get3A_67] : memref<128x128xf32, #tpu.memory_space<vmem>>, vector<128x128xf32>
      %dot_general3A_69 = arith.constant dense<0.000000e+00> : vector<128x128xf32>
      %dot_general3A_70 = tpu.matmul %add3A, %max3A_53, %dot_general3A_69 {dimension_numbers = #tpu.dot_dimension_numbers<[0], [0], [1], [1], [0, 1, 1, 1], [], []>, transpose_lhs_hint = false} : vector<2000x128xf32>, vector<2000x128xf32>, vector<128x128xf32> -> vector<128x128xf32>
      %add3A_71 = arith.addf %get3A_68, %dot_general3A_70 : vector<128x128xf32>
      %swap3A_72 = arith.constant 0 : index
      %swap3A_73 = arith.constant 0 : index
      %swap3A_74 = vector.load %arg19[%swap3A_72, %swap3A_73] : memref<128x128xf32, #tpu.memory_space<vmem>>, vector<128x128xf32>
      tpu.vector_store %arg19[%swap3A_72, %swap3A_73], %add3A_71 {strides = array<i32>} : memref<128x128xf32, #tpu.memory_space<vmem>>, vector<128x128xf32>,
    } else {
    }
    %eq3A_9 = arith.constant 1 : i32
    %eq3A_10 = arith.cmpi eq, %arg0, %eq3A_9 : i32
    %eq3A_11 = arith.constant 0 : i32
    %eq3A_12 = arith.cmpi eq, %arg1, %eq3A_11 : i32
    %and3A_13 = arith.andi %eq3A_10, %eq3A_12 : i1
    %convert_element_type3A_14 = arith.extui %and3A_13 : i1 to i32
    %cond3A_15 = arith.constant 0 : i32
    %cond3A_16 = arith.cmpi ne, %convert_element_type3A_14, %cond3A_15 : i32
    scf.if %cond3A_16 {
      %get3A = arith.constant 0 : index
      %get3A_22 = arith.constant 0 : index
      %get3A_23 = vector.load %arg18[%get3A, %get3A_22] : memref<128x128xf32, #tpu.memory_space<vmem>>, vector<128x128xf32>
      %get3A_24 = arith.constant 0 : index
      %get3A_25 = arith.constant 0 : index
      %get3A_26 = vector.load %arg5[%get3A_24, %get3A_25] : memref<128x128xf32, #tpu.memory_space<vmem>>, vector<128x128xf32>
      %dot_general3A = arith.constant dense<0.000000e+00> : vector<128x128xf32>
      %dot_general3A_27 = tpu.matmul %get3A_23, %get3A_26, %dot_general3A {dimension_numbers = #tpu.dot_dimension_numbers<[1], [0], [0], [1], [0, 0, 1, 1], [], []>, transpose_lhs_hint = false} : vector<128x128xf32>, vector<128x128xf32>, vector<128x128xf32> -> vector<128x128xf32>
      %get3A_28 = arith.constant 0 : index
      %get3A_29 = arith.constant 0 : index
      %get3A_30 = vector.load %arg14[%get3A_28, %get3A_29] : memref<128x128xf32, #tpu.memory_space<vmem>>, vector<128x128xf32>
      %get3A_31 = arith.constant 0 : index
      %get3A_32 = arith.constant 0 : index
      %get3A_33 = vector.load %arg6[%get3A_31, %get3A_32] : memref<128x128xf32, #tpu.memory_space<vmem>>, vector<128x128xf32>
      %dot_general3A_34 = arith.constant dense<0.000000e+00> : vector<128x128xf32>
      %dot_general3A_35 = tpu.matmul %get3A_30, %get3A_33, %dot_general3A_34 {dimension_numbers = #tpu.dot_dimension_numbers<[1], [0], [0], [1], [0, 0, 1, 1], [], []>, transpose_lhs_hint = false} : vector<128x128xf32>, vector<128x128xf32>, vector<128x128xf32> -> vector<128x128xf32>
      %add3A = arith.addf %dot_general3A_27, %dot_general3A_35 : vector<128x128xf32>
      %get3A_36 = arith.constant 0 : index
      %get3A_37 = arith.constant 0 : index
      %get3A_38 = vector.load %arg7[%get3A_36, %get3A_37] : memref<1x128xf32, #tpu.memory_space<vmem>>, vector<1x128xf32>
      %add3A_39 = vector.broadcast %get3A_38 : vector<1x128xf32> to vector<128x128xf32>
      %add3A_40 = arith.addf %add3A, %add3A_39 : vector<128x128xf32>
      %max3A = arith.constant 0.000000e+00 : f32
      %max3A_41 = vector.broadcast %max3A : f32 to vector<128x128xf32>
      %max3A_42 = arith.maximumf %add3A_40, %max3A_41 : vector<128x128xf32>
      %get3A_43 = arith.constant 0 : index
      %get3A_44 = arith.constant 0 : index
      %get3A_45 = vector.load %arg19[%get3A_43, %get3A_44] : memref<128x128xf32, #tpu.memory_space<vmem>>, vector<128x128xf32>
      %get3A_46 = arith.constant 0 : index
      %get3A_47 = arith.constant 0 : index
      %get3A_48 = vector.load %arg8[%get3A_46, %get3A_47] : memref<128x128xf32, #tpu.memory_space<vmem>>, vector<128x128xf32>
      %dot_general3A_49 = arith.constant dense<0.000000e+00> : vector<128x128xf32>
      %dot_general3A_50 = tpu.matmul %get3A_45, %get3A_48, %dot_general3A_49 {dimension_numbers = #tpu.dot_dimension_numbers<[1], [0], [0], [1], [0, 0, 1, 1], [], []>, transpose_lhs_hint = false} : vector<128x128xf32>, vector<128x128xf32>, vector<128x128xf32> -> vector<128x128xf32>
      %get3A_51 = arith.constant 0 : index
      %get3A_52 = arith.constant 0 : index
      %get3A_53 = vector.load %arg9[%get3A_51, %get3A_52] : memref<128x128xf32, #tpu.memory_space<vmem>>, vector<128x128xf32>
      %dot_general3A_54 = arith.constant dense<0.000000e+00> : vector<128x128xf32>
      %dot_general3A_55 = tpu.matmul %max3A_42, %get3A_53, %dot_general3A_54 {dimension_numbers = #tpu.dot_dimension_numbers<[1], [0], [0], [1], [0, 0, 1, 1], [], []>, transpose_lhs_hint = false} : vector<128x128xf32>, vector<128x128xf32>, vector<128x128xf32> -> vector<128x128xf32>
      %add3A_56 = arith.addf %dot_general3A_50, %dot_general3A_55 : vector<128x128xf32>
      %get3A_57 = arith.constant 0 : index
      %get3A_58 = arith.constant 0 : index
      %get3A_59 = vector.load %arg10[%get3A_57, %get3A_58] : memref<1x128xf32, #tpu.memory_space<vmem>>, vector<1x128xf32>
      %add3A_60 = vector.broadcast %get3A_59 : vector<1x128xf32> to vector<128x128xf32>
      %add3A_61 = arith.addf %add3A_56, %add3A_60 : vector<128x128xf32>
      %swap3A = arith.constant 0 : index
      %swap3A_62 = arith.constant 0 : index
      %swap3A_63 = vector.load %arg20[%swap3A, %swap3A_62] : memref<128x128xf32, #tpu.memory_space<vmem>>, vector<128x128xf32>
      tpu.vector_store %arg20[%swap3A, %swap3A_62], %max3A_42 {strides = array<i32>} : memref<128x128xf32, #tpu.memory_space<vmem>>, vector<128x128xf32>,
      %get3A_64 = arith.constant 0 : index
      %get3A_65 = arith.constant 0 : index
      %get3A_66 = vector.load %arg8[%get3A_64, %get3A_65] : memref<128x128xf32, #tpu.memory_space<vmem>>, vector<128x128xf32>
      %dot_general3A_67 = arith.constant dense<0.000000e+00> : vector<128x128xf32>
      %dot_general3A_68 = tpu.matmul %max3A_42, %get3A_66, %dot_general3A_67 {dimension_numbers = #tpu.dot_dimension_numbers<[1], [0], [0], [1], [0, 0, 1, 1], [], []>, transpose_lhs_hint = false} : vector<128x128xf32>, vector<128x128xf32>, vector<128x128xf32> -> vector<128x128xf32>
      %swap3A_69 = arith.constant 0 : index
      %swap3A_70 = arith.constant 0 : index
      %swap3A_71 = vector.load %arg21[%swap3A_69, %swap3A_70] : memref<128x128xf32, #tpu.memory_space<vmem>>, vector<128x128xf32>
      tpu.vector_store %arg21[%swap3A_69, %swap3A_70], %dot_general3A_68 {strides = array<i32>} : memref<128x128xf32, #tpu.memory_space<vmem>>, vector<128x128xf32>,
      %swap3A_72 = arith.constant 0 : index
      %swap3A_73 = arith.constant 0 : index
      %swap3A_74 = vector.load %arg22[%swap3A_72, %swap3A_73] : memref<128x128xf32, #tpu.memory_space<vmem>>, vector<128x128xf32>
      tpu.vector_store %arg22[%swap3A_72, %swap3A_73], %add3A_61 {strides = array<i32>} : memref<128x128xf32, #tpu.memory_space<vmem>>, vector<128x128xf32>,
      %swap3A_75 = arith.constant 0 : index
      %swap3A_76 = arith.constant 0 : index
      %swap3A_77 = vector.load %arg13[%swap3A_75, %swap3A_76] : memref<128x128xf32, #tpu.memory_space<vmem>>, vector<128x128xf32>
      tpu.vector_store %arg13[%swap3A_75, %swap3A_76], %add3A_61 {strides = array<i32>} : memref<128x128xf32, #tpu.memory_space<vmem>>, vector<128x128xf32>,
    } else {
    }
    %eq3A_17 = arith.constant 1 : i32
    %eq3A_18 = arith.cmpi eq, %arg0, %eq3A_17 : i32
    %convert_element_type3A_19 = arith.extui %eq3A_18 : i1 to i32
    %cond3A_20 = arith.constant 0 : i32
    %cond3A_21 = arith.cmpi ne, %convert_element_type3A_19, %cond3A_20 : i32
    scf.if %cond3A_21 {
      %mul3A = arith.constant 2000 : i32
      %mul3A_22 = arith.muli %arg1, %mul3A : i32
      %get3A = arith.index_cast %mul3A_22 : i32 to index
      %get3A_23 = arith.constant 0 : index
      %get3A_24 = vector.load %arg16[%get3A, %get3A_23] : memref<10000x128xf32, #tpu.memory_space<vmem>>, vector<2000x128xf32>
      %get3A_25 = arith.constant 0 : index
      %get3A_26 = arith.constant 0 : index
      %get3A_27 = vector.load %arg21[%get3A_25, %get3A_26] : memref<128x128xf32, #tpu.memory_space<vmem>>, vector<128x128xf32>
      %dot_general3A = arith.constant dense<0.000000e+00> : vector<2000x128xf32>
      %dot_general3A_28 = tpu.matmul %get3A_24, %get3A_27, %dot_general3A {dimension_numbers = #tpu.dot_dimension_numbers<[1], [0], [0], [1], [0, 0, 1, 1], [], []>, transpose_lhs_hint = false} : vector<2000x128xf32>, vector<128x128xf32>, vector<2000x128xf32> -> vector<2000x128xf32>
      %get3A_29 = arith.index_cast %mul3A_22 : i32 to index
      %get3A_30 = arith.constant 0 : index
      %get3A_31 = vector.load %arg17[%get3A_29, %get3A_30] : memref<10000x128xf32, #tpu.memory_space<vmem>>, vector<2000x128xf32>
      %get3A_32 = arith.constant 0 : index
      %get3A_33 = arith.constant 0 : index
      %get3A_34 = vector.load %arg9[%get3A_32, %get3A_33] : memref<128x128xf32, #tpu.memory_space<vmem>>, vector<128x128xf32>
      %dot_general3A_35 = arith.constant dense<0.000000e+00> : vector<2000x128xf32>
      %dot_general3A_36 = tpu.matmul %get3A_31, %get3A_34, %dot_general3A_35 {dimension_numbers = #tpu.dot_dimension_numbers<[1], [0], [0], [1], [0, 0, 1, 1], [], []>, transpose_lhs_hint = false} : vector<2000x128xf32>, vector<128x128xf32>, vector<2000x128xf32> -> vector<2000x128xf32>
      %add3A = arith.addf %dot_general3A_28, %dot_general3A_36 : vector<2000x128xf32>
      %get3A_37 = arith.constant 0 : index
      %get3A_38 = arith.constant 0 : index
      %get3A_39 = vector.load %arg10[%get3A_37, %get3A_38] : memref<1x128xf32, #tpu.memory_space<vmem>>, vector<1x128xf32>
      %add3A_40 = vector.broadcast %get3A_39 : vector<1x128xf32> to vector<2000x128xf32>
      %add3A_41 = arith.addf %add3A, %add3A_40 : vector<2000x128xf32>
      %swap3A = arith.constant 0 : index
      %swap3A_42 = arith.constant 0 : index
      %swap3A_43 = vector.load %arg12[%swap3A, %swap3A_42] : memref<2000x128xf32, #tpu.memory_space<vmem>>, vector<2000x128xf32>
      tpu.vector_store %arg12[%swap3A, %swap3A_42], %add3A_41 {strides = array<i32>} : memref<2000x128xf32, #tpu.memory_space<vmem>>, vector<2000x128xf32>,
      %get3A_44 = arith.constant 0 : index
      %get3A_45 = arith.constant 0 : index
      %get3A_46 = vector.load %arg22[%get3A_44, %get3A_45] : memref<128x128xf32, #tpu.memory_space<vmem>>, vector<128x128xf32>
      %dot_general3A_47 = arith.constant dense<0.000000e+00> : vector<2000x128xf32>
      %dot_general3A_48 = tpu.matmul %add3A_41, %get3A_46, %dot_general3A_47 {dimension_numbers = #tpu.dot_dimension_numbers<[1], [1], [0], [0], [0, 0, 1, 0], [], []>, transpose_lhs_hint = false} : vector<2000x128xf32>, vector<128x128xf32>, vector<2000x128xf32> -> vector<2000x128xf32>
      %swap3A_49 = arith.constant 0 : index
      %swap3A_50 = arith.constant 0 : index
      %swap3A_51 = vector.load %arg11[%swap3A_49, %swap3A_50] : memref<2000x128xf32, #tpu.memory_space<vmem>>, vector<2000x128xf32>
      tpu.vector_store %arg11[%swap3A_49, %swap3A_50], %dot_general3A_48 {strides = array<i32>} : memref<2000x128xf32, #tpu.memory_space<vmem>>, vector<2000x128xf32>,
    } else {
    }
    return
  }
  func.func @transform_0(%arg0: i32, %arg1: i32) -> (i32, i32) {
    %eq3A = arith.constant 0 : i32
    %eq3A_0 = arith.cmpi eq, %arg0, %eq3A : i32
    %jit3A = arith.constant 4 : i32
    %select_n3A = arith.select %eq3A_0, %arg1, %jit3A : i32
    %c0_i32 = arith.constant 0 : i32
    %c0_i32_1 = arith.constant 0 : i32
    return %select_n3A, %c0_i32 : i32, i32
  }
  func.func @transform_1(%arg0: i32, %arg1: i32) -> (i32, i32, i32) {
    %eq3A = arith.constant 0 : i32
    %eq3A_0 = arith.cmpi eq, %arg0, %eq3A : i32
    %jit3A = arith.constant 4 : i32
    %select_n3A = arith.select %eq3A_0, %arg1, %jit3A : i32
    %c0_i32 = arith.constant 0 : i32
    %c0_i32_1 = arith.constant 0 : i32
    %c0_i32_2 = arith.constant 0 : i32
    return %c0_i32, %select_n3A, %c0_i32_1 : i32, i32, i32
  }
  func.func @transform_2(%arg0: i32, %arg1: i32) -> (i32, i32) {
    %c0_i32 = arith.constant 0 : i32
    %c0_i32_0 = arith.constant 0 : i32
    %c0_i32_1 = arith.constant 0 : i32
    return %c0_i32, %c0_i32_0 : i32, i32
  }
  func.func @transform_3(%arg0: i32, %arg1: i32) -> (i32, i32) {
    %c0_i32 = arith.constant 0 : i32
    %c0_i32_0 = arith.constant 0 : i32
    %c0_i32_1 = arith.constant 0 : i32
    return %c0_i32, %c0_i32_0 : i32, i32
  }
  func.func @transform_4(%arg0: i32, %arg1: i32) -> (i32, i32) {
    %c0_i32 = arith.constant 0 : i32
    %c0_i32_0 = arith.constant 0 : i32
    %c0_i32_1 = arith.constant 0 : i32
    return %c0_i32, %c0_i32_0 : i32, i32
  }
  func.func @transform_5(%arg0: i32, %arg1: i32) -> (i32, i32) {
    %c0_i32 = arith.constant 0 : i32
    %c0_i32_0 = arith.constant 0 : i32
    %c0_i32_1 = arith.constant 0 : i32
    return %c0_i32, %c0_i32_0 : i32, i32
  }
  func.func @transform_6(%arg0: i32, %arg1: i32) -> (i32, i32) {
    %c0_i32 = arith.constant 0 : i32
    %c0_i32_0 = arith.constant 0 : i32
    %c0_i32_1 = arith.constant 0 : i32
    return %c0_i32, %c0_i32_0 : i32, i32
  }
  func.func @transform_7(%arg0: i32, %arg1: i32) -> (i32, i32) {
    %c0_i32 = arith.constant 0 : i32
    %c0_i32_0 = arith.constant 0 : i32
    %c0_i32_1 = arith.constant 0 : i32
    return %c0_i32, %c0_i32_0 : i32, i32
  }
  func.func @transform_8(%arg0: i32, %arg1: i32) -> (i32, i32) {
    %c0_i32 = arith.constant 0 : i32
    %c0_i32_0 = arith.constant 0 : i32
    %c0_i32_1 = arith.constant 0 : i32
    return %c0_i32, %c0_i32_0 : i32, i32
  }
  func.func @transform_9(%arg0: i32, %arg1: i32) -> (i32, i32) {
    %eq3A = arith.constant 0 : i32
    %eq3A_0 = arith.cmpi eq, %arg0, %eq3A : i32
    %jit3A = arith.constant 0 : i32
    %select_n3A = arith.select %eq3A_0, %jit3A, %arg1 : i32
    %c0_i32 = arith.constant 0 : i32
    %c0_i32_1 = arith.constant 0 : i32
    return %select_n3A, %c0_i32 : i32, i32
  }
  func.func @transform_10(%arg0: i32, %arg1: i32) -> (i32, i32) {
    %eq3A = arith.constant 0 : i32
    %eq3A_0 = arith.cmpi eq, %arg0, %eq3A : i32
    %jit3A = arith.constant 0 : i32
    %select_n3A = arith.select %eq3A_0, %jit3A, %arg1 : i32
    %c0_i32 = arith.constant 0 : i32
    %c0_i32_1 = arith.constant 0 : i32
    return %select_n3A, %c0_i32 : i32, i32
  }
  func.func @transform_11(%arg0: i32, %arg1: i32) -> (i32, i32) {
    %c0_i32 = arith.constant 0 : i32
    %c0_i32_0 = arith.constant 0 : i32
    %c0_i32_1 = arith.constant 0 : i32
    return %c0_i32, %c0_i32_0 : i32, i32
  }
}

</mosaic_0001>

<sc_bundles>
// kernel: kernel.4.cloned.1.call-start
scs
__scs_entry_jumppad:
0x0: {  	(pc) =	sbr.rel $0x88, $3  }
0x1: {  	(tag) =	ssettag $0x0;
	lr =	simm.s32 $0x1  }
0x2: {  	[smem:$0x3F96] =	sst lr;
	_ =	strace $0xD0000000  }
0x3: {  	_ = 	snop  }
0x4: {  	_ = 	snop  }
0x5: {  	_ = 	snop  }
0x6: {  	_ = 	snop  }
0x7: {  	_ = 	snop  }
__scs_overlays_trampoline_lowered:
0x8: {  	[smem:$0x3FA5] =	sst s0  }
0x9: {  	[smem:$0x3FA6] =	sst s1  }
0xa: {  	[smem:$0x3FA7] =	sst s2  }
0xb: {  	[smem:$0x3FA8] =	sst s3  }
0xc: {  	[smem:$0x3FA9] =	sst s4  }
0xd: {  	[smem:$0x3FAA] =	sst s5  }
0xe: {  	[smem:$0x3FAB] =	sst s6  }
0xf: {  	[smem:$0x3FAC] =	sst s7  }
0x10: {  	[smem:$0x3FAD] =	sst s8  }
0x11: {  	[smem:$0x3FAE] =	sst s9;
	s0 =	simm.s32 @!p0 $0x0  }
0x12: {  	s1 =	sld [smem:$0x3F94];
	s0 =	simm.s32 @p0 $0x1  }
0x13: {  	[smem:$0x3FAF] =	sst s0;
	s0 =	simm.s32 @!p1 $0x0  }
0x14: {  	s2 =	sld [smem:$0x3F93];
	s0 =	simm.s32 @p1 $0x1  }
0x15: {  	[smem:$0x3FB0] =	sst s0;
	s0 =	simm.s32 @!p2 $0x0  }
0x16: {  	s3 =	sld [smem:$0x3FDB];
	s0 =	simm.s32 @p2 $0x1  }
0x17: {  	s4 =	simm.s32 $0x1BF5;
	[smem:$0x3FB2] =	sst s0  }
0x18: {  	s0 =	sld [smem:$0x3F95];
	_ =	swait.ge [sflag:s4], $0x0  }
0x19: {  	s7 =	sld [smem:$0x3F96]  }
0x1a: {  	s8 =	sadd.s32 $0xFFFFE003, lr  }
0x1b: {  	s9 =	sadd.s32 $0xFFFFFEF7, lr;
	s5 =	simm.s32 $0xFFFFFFFF;
	p2 =	slt.u32 s8, $0xFFFFF086  }
0x1c: {  	p1 =	slt.u32 s9, $0xF7A;
	s5 =	simm.s32 @!p2 $0x0  }
0x1d: {  	s5 =	simm.s32 @p1 $0x1;
	p0 =	seq.s32 s7, s2  }
0x1e: {  	s7 =	smul.u32 @!p0 $0xF7A, s2;
	p2 =	seq.s32 @!p0 s5, $0x0  }
0x1f: {  	s9 =	smul.u32 $0xF7A, s1;
	s8 =	simm.s32 @!p0 $0x1BF5;
	p2 =	por !p2, p0  }
0x20: {  	[sflag:s8] =	ssyncset.s32 @!p0 $0xFFFFF086;
	s6 =	sadd.s32 @!p0 s3, s7;
	s7 =	simm.s32 @!p0 $0x108  }
0x21: {  	s3 =	sadd.s32 s3, s9;
	s6 =	sadd.s32 @!p0 $0x88, s6;
	s7 =	simm.s32 @p2 $0x1082  }
0x22: {  	[simem:s7], [sflag:s8] =	dma.local @!p0 [hbm:s6], $0xF7A  }
0x23: {  	s9 =	sor.u32 $0xD0000000, s2;
	s6 =	simm.s32 $0x108;
	_ =	swait.ge @!p0 [sflag:s8], $0x0  }
0x24: {  	s3 =	sadd.s32 $0x88, s3;
	s6 =	simm.s32 @!p1 $0x1082;
	[sflag:s4] =	ssyncset.s32 $0xFFFFF086  }
0x25: {  	[simem:s6], [sflag:s4] =	dma.local [hbm:s3], $0xF7A  }
0x26: {  	[smem:$0x3F96] =	sst s1;
	(tag) =	ssettag s2;
	_ =	strace s9  }
0x27: {  	s1 =	sld [smem:$0x3FA6]  }
0x28: {  	s2 =	sld [smem:$0x3FA7]  }
0x29: {  	s4 =	sld [smem:$0x3FA9]  }
0x2a: {  	p0 =	seq.s32 s5, $0x0;
	s5 =	sld [smem:$0x3FAA]  }
0x2b: {  	s6 =	sld [smem:$0x3FAB]  }
0x2c: {  	s7 =	sld [smem:$0x3FAC]  }
0x2d: {  	s3 =	simm.s32 $0x108;
	s8 =	sld [smem:$0x3FAD]  }
0x2e: {  	s3 =	simm.s32 @!p0 $0x1082;
	s9 =	sld [smem:$0x3FAE]  }
0x2f: {  	lr =	sadd.s32 s0, s3;
	s0 =	sld [smem:$0x3FA5]  }
0x30: {  	s3 =	sld [smem:$0x3FA8]  }
0x31: {  	[smem:$0x3FB1] =	sst s10  }
0x32: {  	s10 =	sld [smem:$0x3FAF];
	_ =	sdelay $0x3  }
0x33: {  	p0 =	seq.s32 s10, $0x1;
	s10 =	sld [smem:$0x3FB1];
	_ =	sdelay $0x3  }
0x34: {  	[smem:$0x3FB1] =	sst s10  }
0x35: {  	s10 =	sld [smem:$0x3FB0];
	_ =	sdelay $0x3  }
0x36: {  	p1 =	seq.s32 s10, $0x1;
	s10 =	sld [smem:$0x3FB1];
	_ =	sdelay $0x3  }
0x37: {  	[smem:$0x3FB1] =	sst s10  }
0x38: {  	s10 =	sld [smem:$0x3FB2]  }
0x39: {  	_ = 	snop;
	(pc) =	sbr.ind lr, $3  }
0x3a: {  	_ = 	snop  }
0x3b: {  	_ = 	snop  }
0x3c: {  	p2 =	seq.s32 s10, $0x1;
	s10 =	sld [smem:$0x3FB1]  }
0x3d: {  	_ =	shalt  }
0x3e: {  	_ =	shalt  }
0x3f: {  	_ =	shalt  }
0x40: {  	_ =	shalt  }
0x41: {  	_ =	shalt  }
0x42: {  	_ =	shalt  }
0x43: {  	_ =	shalt  }
0x44: {  	_ =	shalt  }
0x45: {  	_ =	shalt  }
0x46: {  	_ =	shalt  }
0x47: {  	_ =	shalt  }
0x48: {  	_ =	shalt  }
0x49: {  	_ =	shalt  }
0x4a: {  	_ =	shalt  }
0x4b: {  	_ =	shalt  }
0x4c: {  	_ =	shalt  }
0x4d: {  	_ =	shalt  }
0x4e: {  	_ =	shalt  }
0x4f: {  	_ =	shalt  }
0x50: {  	_ =	shalt  }
0x51: {  	_ =	shalt  }
0x52: {  	_ =	shalt  }
0x53: {  	_ =	shalt  }
0x54: {  	_ =	shalt  }
0x55: {  	_ =	shalt  }
0x56: {  	_ =	shalt  }
0x57: {  	_ =	shalt  }
0x58: {  	_ =	shalt  }
0x59: {  	_ =	shalt  }
0x5a: {  	_ =	shalt  }
0x5b: {  	_ =	shalt  }
0x5c: {  	_ =	shalt  }
0x5d: {  	_ =	shalt  }
0x5e: {  	_ =	shalt  }
0x5f: {  	_ =	shalt  }
0x60: {  	_ =	shalt  }
0x61: {  	_ =	shalt  }
0x62: {  	_ =	shalt  }
0x63: {  	_ =	shalt  }
0x64: {  	_ =	shalt  }
0x65: {  	_ =	shalt  }
0x66: {  	_ =	shalt  }
0x67: {  	_ =	shalt  }
0x68: {  	_ =	shalt  }
0x69: {  	_ =	shalt  }
0x6a: {  	_ =	shalt  }
0x6b: {  	_ =	shalt  }
0x6c: {  	_ =	shalt  }
0x6d: {  	_ =	shalt  }
0x6e: {  	_ =	shalt  }
0x6f: {  	_ =	shalt  }
0x70: {  	_ =	shalt  }
0x71: {  	_ =	shalt  }
0x72: {  	_ =	shalt  }
0x73: {  	_ =	shalt  }
0x74: {  	_ =	shalt  }
0x75: {  	_ =	shalt  }
0x76: {  	_ =	shalt  }
0x77: {  	_ =	shalt  }
0x78: {  	_ =	shalt  }
0x79: {  	_ =	shalt  }
0x7a: {  	_ =	shalt  }
0x7b: {  	_ =	shalt  }
0x7c: {  	_ =	shalt  }
0x7d: {  	_ =	shalt  }
0x7e: {  	_ =	shalt  }
0x7f: {  	_ =	shalt  }
0x80: {  	_ =	shalt  }
0x81: {  	_ =	shalt  }
0x82: {  	_ =	shalt  }
0x83: {  	_ =	shalt  }
0x84: {  	_ =	shalt  }
0x85: {  	_ =	shalt  }
0x86: {  	_ =	shalt  }
0x87: {  	_ =	shalt  }
.Lfunc_end0:
.L_simem_size_0:
called_computation_lowered:
.L_overlay_start_0:
0x88: {  	s2 =	sld [smem:$0x3FD9]  }
0x89: {  	s3 =	sld [smem:$0x3FFE];
	_ =	sdelay $0x1  }
0x8a: {  	s1 =	srdreg.scid  }
0x8b: {  	s0 =	sand.u32 $0x1, s1  }
0x8c: {  	s14 =	sshll.u32 s0, $0xA;
	s2 =	sadd.s32 s3, s2  }
0x8d: {  	s2 =	sadd.s32 s2, s14  }
0x8e: {  	[smem:$0x3FBD] =	sst s2  }
0x8f: {  	_ = 	snop  }
0x90: {  	s2 =	sld [smem:$0x3FD0];
	_ =	sdelay $0x2  }
0x91: {  	s4 =	simm.s32 $0xA;
	s5 =	simm.s32 $0x10;
	s15 =	sld [smem:$0x3FC6]  }
0x92: {  	[smem:s5], [sflag:s4] =	dma.local [hbm:s2], $0x1  }
0x93: {  	_ =	swait.eq [sflag:s4], $0x1  }
0x94: {  	[sflag:s4] =	ssyncset.done $0x0  }
0x95: {  	[sflag:s4] =	ssyncadd.s32 $0xFFFFFFFF  }
0x96: {  	s16 =	sld [smem:$0x11];
	(tm) =	ssettm $0x1  }
0x97: {  	s17 =	sld [smem:$0x3FFB];
	_ =	sdelay $0x3  }
0x98: {  	_ =	strace s17  }
0x99: {  	s4 =	sld [smem:$0x3FFC];
	_ =	sdelay $0x3  }
0x9a: {  	_ =	strace s4  }
0x9b: {  	s4 =	sld [smem:$0x3FFD];
	_ =	sdelay $0x3  }
0x9c: {  	_ =	strace s4  }
0x9d: {  	_ =	strace $0x8FFFFFFF  }
0x9e: {  	s18 =	sld [smem:$0x3FDB];
	_ =	sdelay $0x1  }
0x9f: {  	s19 =	simm.s32 $_scs_section_size  }
0xa0: {  	s6 =	simm.s32 $_size__tile_overlayer_lowered;
	s7 =	simm.s32 $_tile_overlayer_lowered  }
0xa1: {  	s22 =	simm.s32 $0x1BFF;
	s21 =	sshll.u32 s7, $0x1;
	s4 =	sadd.s32 s19, s18  }
0xa2: {  	s8 =	simm.s32 $0x0;
	s20 =	sshll.u32 s6, $0x1;
	s6 =	sadd.s32 s21, s4  }
0xa3: {  	[timem:s8], [sflag:s22] =	dma.local [hbm:s6], s20  }
0xa4: {  	_ =	swait.ge [sflag:s22], s20  }
0xa5: {  	s5 =	ssub.s32 $0x0, s20;
	[sflag:s22] =	ssyncset.done $0x0  }
0xa6: {  	[sflag:s22] =	ssyncadd.s32 s5;
	_ =	sdelay $0x1  }
0xa7: {  	s23 =	simm.s32 $0x1B8B  }
0xa8: {  	_ =	swait.ge [sflag:s23], $0x1  }
0xa9: {  	[sflag:s23] =	ssyncset.done $0x0  }
0xaa: {  	s25 =	simm.s32 $0x1B8E;
	s24 =	sld [smem:$0x3FFE];
	[sflag:s23] =	ssyncadd.s32 $0xFFFFFFFF  }
0xab: {  	s26 =	simm.s32 $execute0_lowered;
	[smem:$0x3FD2] =	sst s25  }
0xac: {  	s6 =	sshll.u32 s26, $0x1;
	_ =	strace $0x80000046;
	[dreg:$0x1] =	wrdreg $0xFFFFFFFF  }
0xad: {  	s28 =	simm.s32 $_size_execute0_lowered;
	s4 =	sadd.s32 s4, s6;
	[dreg:$0x0] =	wrdreg $0x0  }
0xae: {  	s6 =	sshll.u32 s28, $0x1;
	[dreg:$0x2] =	wrdreg s4  }
0xaf: {  	[dreg:$0x3] =	wrdreg s6  }
0xb0: {  	[dreg:$0x4] =	wrdreg $0xC0  }
0xb1: {  	_ =	task [dreg:s8], $0x5FFFF  }
0xb2: {  	[dreg:$0x1] =	wrdreg $0xFFFFFFFF  }
0xb3: {  	[dreg:$0x0] =	wrdreg $0x60  }
0xb4: {  	[dreg:$0x2] =	wrdreg s16  }
0xb5: {  	[dreg:$0x3] =	wrdreg s15  }
0xb6: {  	[dreg:$0x4] =	wrdreg s24  }
0xb7: {  	[dreg:$0x5] =	wrdreg $0x5F000  }
0xb8: {  	[dreg:$0x6] =	wrdreg $0x9  }
0xb9: {  	_ =	task.clear_ibuf [dreg:s8], $0x7FFFF;
	_ =	strace $0x90000046  }
0xba: {  	s29 =	simm.s32 $0x9;
	_ =	strace $0x80000048  }
0xbb: {  	_ =	swait.ge [sflag:s29], $0x1  }
0xbc: {  	[sflag:s29] =	ssyncadd.s32 $0xFFFFFFFF  }
0xbd: {  	_ =	strace $0x90000048  }
0xbe: {  	_ =	sfence  }
0xbf: {  	s30 =	sld [smem:$0x0];
	_ =	sdelay $0x2  }
0xc0: {  	s31 =	sshll.u32 s1, $0xD;
	s1 =	sshrl.u32 s1, $0x2  }
0xc1: {  	s3 =	sand.u32 $0x4000, s31;
	s1 =	sadd.s32 s1, s30  }
0xc2: {  	s0 =	sor.u32 s3, s0;
	s1 =	sshll.u32 s1, $0x11  }
0xc3: {  	s0 =	sor.u32 s1, s0  }
0xc4: {  	s0 =	sadd.s32 $0x8F2B, s0  }
0xc5: {  	[sflag:s0] =	ssyncadd.remote.s32 $0x1  }
0xc6: {  	_ =	sfence.sel $0xFFFF  }
0xc7: {  	[dreg:$0x0] =	wrdreg $0xFFFFFFFF;
	(pc) =	sbr.abs _section_cstart, $3  }
0xc8: {  	[dreg:$0x1] =	wrdreg $0xFFFFFFFF  }
0xc9: {  	_ =	task.clear_ibuf [dreg:s8], $0x2FFFF;
	_ =	strace $0x9FFFFFFF  }
0xca: {  	(tm) =	ssettm $0x7FFFFFFF  }
0xcb: {  	_ =	shalt  }
tec
execute0_lowered:
.L_overlay_start_1:
0x0: {  	(tag) =	ssettag $0x1  }
0x1: {  	s0 =	rddreg [dreg:$0x0]  }
0x2: {  	s1 =	rddreg [dreg:$0x1]  }
0x3: {  	s2 =	srdreg.scid;
	s8 =	stileid.u32  }
0x4: {  	s3 =	rddreg [dreg:$0x2];
	s9 =	simm.s32 $0x0;
	s30 =	simm.s32 $0x4F00  }
0x5: {  	s31 =	simm.s32 $0x1;
	s4 =	sand.u32 $0x1, s2;
	s2 =	rddreg [dreg:$0x3]  }
0x6: {  	s29 =	simm.s32 $0x50;
	s5 =	smul.u32 $0x13880, s8;
	[smem:$0x7FF] =	sst s9  }
0x7: {  	s6 =	smul.u32 $0x138800, s4;
	s7 =	sshll.u32 s4, $0x4;
	s4 =	ssub.s32 $0x2, s4  }
0x8: {  	_ =	strace $0x80000047;
	s7 =	sor.u32 s8, s7;
	s21 =	sshrl.u32 s4, $0x1  }
0x9: {  	s6 =	sadd.s32 s5, s6;
	s7 =	smul.u32 $0x4E2, s7;
	s5 =	sadd.s32 s5, s2  }
0xa: {  	s4 =	ssub.s32 s4, s21;
	s6 =	sshrl.u32 s6, $0x3;
	s23 =	sadd.s32 $0xFA0, s5  }
0xb: {  	s24 =	sadd.s32 $0x1F40, s5;
	s25 =	sadd.s32 $0x2EE0, s5;
	s26 =	sadd.s32 $0x3E80, s5  }
0xc: {  	s11 =	sadd.s32 $0x4E20, s5;
	s12 =	sadd.s32 $0x5DC0, s5;
	s13 =	sadd.s32 $0x6D60, s5  }
0xd: {  	s14 =	sadd.s32 $0x7D00, s5;
	s15 =	sadd.s32 $0x8CA0, s5;
	s16 =	sadd.s32 $0x9C40, s5  }
0xe: {  	s17 =	sadd.s32 $0xABE0, s5;
	s18 =	sadd.s32 $0xBB80, s5;
	s19 =	sadd.s32 $0xCB20, s5  }
0xf: {  	s20 =	sadd.s32 $0xDAC0, s5;
	s21 =	sadd.s32 $0xEA60, s5;
	[dreg:$0x7] =	wrdreg s23  }
0x10: {  	s28 =	sadd.s32 $0x128E0, s5;
	s3 =	sadd.s32 s6, s3;
	[dreg:$0x8] =	wrdreg s24  }
0x11: {  	s0 =	sadd.s32 s0, s7;
	s22 =	sadd.s32 s1, s7;
	[dreg:$0x9] =	wrdreg s25  }
0x12: {  	[dreg:$0xa] =	wrdreg s26;
	s23 =	sadd.s32 $0x109A0, s5;
	s25 =	smax.u32 s4, $0x1  }
0x13: {  	s26 =	sadd.s32 $0x11940, s5;
	s1 =	simm.s32 $0x2;
	[dreg:$0x5] =	wrdreg s0  }
0x14: {  	s4 =	simm.s32 $0x0;
	[dreg:$0x6] =	wrdreg s22;
	s22 =	sadd.s32 $0xFA00, s5  }
0x15: {  	v0 =	vimm.f32 $0.0e+00;
	s24 =	sadd.s32 $0x1C00, s3;
	s0 =	simm.s32 $0x3;
	s3 =	simm.s32 $0x4  }
.LBB2_1:
0x16: {  	s6 =	simm.s32 $0x0;
	s7 =	rddreg [dreg:$0x5]  }
0x17: {  	[tilespmem:s6], [sflag:$0x1] =	stream.linear.gather [hbm4b:s7+s6], $0x2710, $0x38;
	[tilespmem:$0x19780] =	vst v63  }
0x18: {  	s10 =	rddreg [dreg:$0x6];
	s8 =	simm.s32 $0x2780  }
0x19: {  	[tilespmem:s8], [sflag:$0x1] =	stream.linear.gather [hbm4b:s10+s6], $0x2710, $0x38;
	[tilespmem:$0x19780] =	vst v63  }
0x1a: {  	s7 =	simm.s32 $0x0;
	s6 =	simm.s32 $0x40  }
.LBB2_2:
0x1b: {  	p0 =	sne.s32 s6, $0x3E40;
	[tilespmem:s7+$0x4F00] =	vst v0;
	s7 =	smov.u32 s6;
	s6 =	sadd.s32 $0x40, s6  }
.Ltmp0:
0x1c: {  	(pc) =	sbr.rel @p0 .LBB2_2-.Ltmp0, $2  }
0x1d: {  	_ =	sdelay $0x2  }
0x1e: {  	s7 =	sshra.s32 s7, $0x2  }
0x1f: {  	[tilespmem:s7+$0x4F00] =	vst v0  }
0x20: {  	[spmem:s5] =	stream.linear.scatter [tilespmem:s30], [sflag:$0x2], $0xFA0, $0x38;
	[tilespmem:$0x19780] =	vst v63  }
0x21: {  	s6 =	rddreg [dreg:$0x7]  }
0x22: {  	[spmem:s6] =	stream.linear.scatter [tilespmem:s30], [sflag:$0x2], $0xFA0, $0x38;
	[tilespmem:$0x19780] =	vst v63  }
0x23: {  	s10 =	rddreg [dreg:$0x8]  }
0x24: {  	[spmem:s10] =	stream.linear.scatter [tilespmem:s30], [sflag:$0x2], $0xFA0, $0x38;
	[tilespmem:$0x19780] =	vst v63  }
0x25: {  	s7 =	rddreg [dreg:$0x9]  }
0x26: {  	[spmem:s7] =	stream.linear.scatter [tilespmem:s30], [sflag:$0x2], $0xFA0, $0x38;
	[tilespmem:$0x19780] =	vst v63  }
0x27: {  	s8 =	rddreg [dreg:$0xa]  }
0x28: {  	[spmem:s8] =	stream.linear.scatter [tilespmem:s30], [sflag:$0x2], $0xFA0, $0x38;
	[tilespmem:$0x19780] =	vst v63  }
0x29: {  	_ = 	snop  }
0x2a: {  	[spmem:s11] =	stream.linear.scatter [tilespmem:s30], [sflag:$0x2], $0xFA0, $0x38;
	[tilespmem:$0x19780] =	vst v63  }
0x2b: {  	_ = 	snop  }
0x2c: {  	[spmem:s12] =	stream.linear.scatter [tilespmem:s30], [sflag:$0x2], $0xFA0, $0x38;
	[tilespmem:$0x19780] =	vst v63  }
0x2d: {  	_ = 	snop  }
0x2e: {  	[spmem:s13] =	stream.linear.scatter [tilespmem:s30], [sflag:$0x2], $0xFA0, $0x38;
	[tilespmem:$0x19780] =	vst v63  }
0x2f: {  	_ = 	snop  }
0x30: {  	[spmem:s14] =	stream.linear.scatter [tilespmem:s30], [sflag:$0x2], $0xFA0, $0x38;
	[tilespmem:$0x19780] =	vst v63  }
0x31: {  	_ = 	snop  }
0x32: {  	[spmem:s15] =	stream.linear.scatter [tilespmem:s30], [sflag:$0x2], $0xFA0, $0x38;
	[tilespmem:$0x19780] =	vst v63  }
0x33: {  	_ = 	snop  }
0x34: {  	[spmem:s16] =	stream.linear.scatter [tilespmem:s30], [sflag:$0x2], $0xFA0, $0x38;
	[tilespmem:$0x19780] =	vst v63  }
0x35: {  	_ = 	snop  }
0x36: {  	[spmem:s17] =	stream.linear.scatter [tilespmem:s30], [sflag:$0x2], $0xFA0, $0x38;
	[tilespmem:$0x19780] =	vst v63  }
0x37: {  	_ = 	snop  }
0x38: {  	[spmem:s18] =	stream.linear.scatter [tilespmem:s30], [sflag:$0x2], $0xFA0, $0x38;
	[tilespmem:$0x19780] =	vst v63  }
0x39: {  	_ = 	snop  }
0x3a: {  	[spmem:s19] =	stream.linear.scatter [tilespmem:s30], [sflag:$0x2], $0xFA0, $0x38;
	[tilespmem:$0x19780] =	vst v63  }
0x3b: {  	_ = 	snop  }
0x3c: {  	[spmem:s20] =	stream.linear.scatter [tilespmem:s30], [sflag:$0x2], $0xFA0, $0x38;
	[tilespmem:$0x19780] =	vst v63  }
0x3d: {  	_ = 	snop  }
0x3e: {  	[spmem:s21] =	stream.linear.scatter [tilespmem:s30], [sflag:$0x2], $0xFA0, $0x38;
	[tilespmem:$0x19780] =	vst v63  }
0x3f: {  	_ = 	snop  }
0x40: {  	[spmem:s22] =	stream.linear.scatter [tilespmem:s30], [sflag:$0x2], $0xFA0, $0x38;
	[tilespmem:$0x19780] =	vst v63  }
0x41: {  	_ = 	snop  }
0x42: {  	[spmem:s23] =	stream.linear.scatter [tilespmem:s30], [sflag:$0x2], $0xFA0, $0x38;
	[tilespmem:$0x19780] =	vst v63  }
0x43: {  	_ = 	snop  }
0x44: {  	[spmem:s26] =	stream.linear.scatter [tilespmem:s30], [sflag:$0x2], $0xFA0, $0x38;
	[tilespmem:$0x19780] =	vst v63  }
0x45: {  	_ = 	snop  }
0x46: {  	[spmem:s28] =	stream.linear.scatter [tilespmem:s30], [sflag:$0x2], $0xFA0, $0x38;
	[tilespmem:$0x19780] =	vst v63  }
0x47: {  	_ =	swait.ge [sflag:s31], $0x2710  }
0x48: {  	[sflag:s31] =	ssyncset.done $0x0  }
0x49: {  	[sflag:s31] =	ssyncadd.s32 $0xFFFFD8F0  }
0x4a: {  	_ =	swait.ge [sflag:s31], $0x2710  }
0x4b: {  	[sflag:s31] =	ssyncset.done $0x0  }
0x4c: {  	[sflag:s31] =	ssyncadd.s32 $0xFFFFD8F0  }
0x4d: {  	_ =	swait.ge [sflag:s1], $0xFA0  }
0x4e: {  	[sflag:s1] =	ssyncset.done $0x0  }
0x4f: {  	[sflag:s1] =	ssyncadd.s32 $0xFFFFF060  }
0x50: {  	_ =	swait.ge [sflag:s1], $0xFA0  }
0x51: {  	[sflag:s1] =	ssyncset.done $0x0  }
0x52: {  	[sflag:s1] =	ssyncadd.s32 $0xFFFFF060  }
0x53: {  	_ =	swait.ge [sflag:s1], $0xFA0  }
0x54: {  	[sflag:s1] =	ssyncset.done $0x0  }
0x55: {  	[sflag:s1] =	ssyncadd.s32 $0xFFFFF060  }
0x56: {  	_ =	swait.ge [sflag:s1], $0xFA0  }
0x57: {  	[sflag:s1] =	ssyncset.done $0x0  }
0x58: {  	[sflag:s1] =	ssyncadd.s32 $0xFFFFF060  }
0x59: {  	_ =	swait.ge [sflag:s1], $0xFA0  }
0x5a: {  	[sflag:s1] =	ssyncset.done $0x0  }
0x5b: {  	[sflag:s1] =	ssyncadd.s32 $0xFFFFF060  }
0x5c: {  	_ =	swait.ge [sflag:s1], $0xFA0  }
0x5d: {  	[sflag:s1] =	ssyncset.done $0x0  }
0x5e: {  	[sflag:s1] =	ssyncadd.s32 $0xFFFFF060  }
0x5f: {  	_ =	swait.ge [sflag:s1], $0xFA0  }
0x60: {  	[sflag:s1] =	ssyncset.done $0x0  }
0x61: {  	[sflag:s1] =	ssyncadd.s32 $0xFFFFF060  }
0x62: {  	_ =	swait.ge [sflag:s1], $0xFA0  }
0x63: {  	[sflag:s1] =	ssyncset.done $0x0  }
0x64: {  	[sflag:s1] =	ssyncadd.s32 $0xFFFFF060  }
0x65: {  	_ =	swait.ge [sflag:s1], $0xFA0  }
0x66: {  	[sflag:s1] =	ssyncset.done $0x0  }
0x67: {  	[sflag:s1] =	ssyncadd.s32 $0xFFFFF060  }
0x68: {  	_ =	swait.ge [sflag:s1], $0xFA0  }
0x69: {  	[sflag:s1] =	ssyncset.done $0x0  }
0x6a: {  	[sflag:s1] =	ssyncadd.s32 $0xFFFFF060  }
0x6b: {  	_ =	swait.ge [sflag:s1], $0xFA0  }
0x6c: {  	[sflag:s1] =	ssyncset.done $0x0  }
0x6d: {  	[sflag:s1] =	ssyncadd.s32 $0xFFFFF060  }
0x6e: {  	_ =	swait.ge [sflag:s1], $0xFA0  }
0x6f: {  	[sflag:s1] =	ssyncset.done $0x0  }
0x70: {  	[sflag:s1] =	ssyncadd.s32 $0xFFFFF060  }
0x71: {  	_ =	swait.ge [sflag:s1], $0xFA0  }
0x72: {  	[sflag:s1] =	ssyncset.done $0x0  }
0x73: {  	[sflag:s1] =	ssyncadd.s32 $0xFFFFF060  }
0x74: {  	_ =	swait.ge [sflag:s1], $0xFA0  }
0x75: {  	[sflag:s1] =	ssyncset.done $0x0  }
0x76: {  	[sflag:s1] =	ssyncadd.s32 $0xFFFFF060  }
0x77: {  	_ =	swait.ge [sflag:s1], $0xFA0  }
0x78: {  	[sflag:s1] =	ssyncset.done $0x0  }
0x79: {  	[sflag:s1] =	ssyncadd.s32 $0xFFFFF060  }
0x7a: {  	_ =	swait.ge [sflag:s1], $0xFA0  }
0x7b: {  	[sflag:s1] =	ssyncset.done $0x0  }
0x7c: {  	[sflag:s1] =	ssyncadd.s32 $0xFFFFF060  }
0x7d: {  	_ =	swait.ge [sflag:s1], $0xFA0  }
0x7e: {  	[sflag:s1] =	ssyncset.done $0x0  }
0x7f: {  	[sflag:s1] =	ssyncadd.s32 $0xFFFFF060  }
0x80: {  	_ =	swait.ge [sflag:s1], $0xFA0  }
0x81: {  	[sflag:s1] =	ssyncset.done $0x0  }
0x82: {  	[sflag:s1] =	ssyncadd.s32 $0xFFFFF060  }
0x83: {  	_ =	swait.ge [sflag:s1], $0xFA0  }
0x84: {  	[sflag:s1] =	ssyncset.done $0x0  }
0x85: {  	[sflag:s1] =	ssyncadd.s32 $0xFFFFF060  }
0x86: {  	_ =	swait.ge [sflag:s1], $0xFA0  }
0x87: {  	[sflag:s1] =	ssyncset.done $0x0  }
0x88: {  	[sflag:s1] =	ssyncadd.s32 $0xFFFFF060  }
0x89: {  	s9 =	simm.s32 $0x0;
	s10 =	simm.s32 $0x2780;
	[bflag:$0x0] =	sbarrier.arrive $0xFFFF  }
0x8a: {  	[spmem:s2] =	stream.indirect.scatter.add.f32 [tilespmem:s10], [sflag:$0x3], $0x1, s9, s29, $0xb8;
	[tilespmem:$0x19780] =	vst v63  }
0x8b: {  	s7 =	simm.s32 $0x27D0;
	s8 =	simm.s32 $0x50  }
0x8c: {  	[spmem:s2] =	stream.indirect.scatter.add.f32 [tilespmem:s7], [sflag:$0x3], $0x1, s8, s29, $0xb8;
	[tilespmem:$0x19780] =	vst v63  }
0x8d: {  	s9 =	simm.s32 $0x2820;
	s10 =	simm.s32 $0xA0  }
0x8e: {  	[spmem:s2] =	stream.indirect.scatter.add.f32 [tilespmem:s9], [sflag:$0x3], $0x1, s10, s29, $0xb8;
	[tilespmem:$0x19780] =	vst v63  }
0x8f: {  	s7 =	simm.s32 $0x2870;
	s8 =	simm.s32 $0xF0  }
0x90: {  	[spmem:s2] =	stream.indirect.scatter.add.f32 [tilespmem:s7], [sflag:$0x3], $0x1, s8, s29, $0xb8;
	[tilespmem:$0x19780] =	vst v63  }
0x91: {  	s9 =	simm.s32 $0x28C0;
	s10 =	simm.s32 $0x140  }
0x92: {  	[spmem:s2] =	stream.indirect.scatter.add.f32 [tilespmem:s9], [sflag:$0x3], $0x1, s10, s29, $0xb8;
	[tilespmem:$0x19780] =	vst v63  }
0x93: {  	s7 =	simm.s32 $0x2910;
	s8 =	simm.s32 $0x190  }
0x94: {  	[spmem:s2] =	stream.indirect.scatter.add.f32 [tilespmem:s7], [sflag:$0x3], $0x1, s8, s29, $0xb8;
	[tilespmem:$0x19780] =	vst v63  }
0x95: {  	s9 =	simm.s32 $0x2960;
	s10 =	simm.s32 $0x1E0  }
0x96: {  	[spmem:s2] =	stream.indirect.scatter.add.f32 [tilespmem:s9], [sflag:$0x3], $0x1, s10, s29, $0xb8;
	[tilespmem:$0x19780] =	vst v63  }
0x97: {  	s7 =	simm.s32 $0x29B0;
	s8 =	simm.s32 $0x230  }
0x98: {  	[spmem:s2] =	stream.indirect.scatter.add.f32 [tilespmem:s7], [sflag:$0x3], $0x1, s8, s29, $0xb8;
	[tilespmem:$0x19780] =	vst v63  }
0x99: {  	s9 =	simm.s32 $0x2A00;
	s10 =	simm.s32 $0x280  }
0x9a: {  	[spmem:s2] =	stream.indirect.scatter.add.f32 [tilespmem:s9], [sflag:$0x3], $0x1, s10, s29, $0xb8;
	[tilespmem:$0x19780] =	vst v63  }
0x9b: {  	s7 =	simm.s32 $0x2A50;
	s8 =	simm.s32 $0x2D0  }
0x9c: {  	[spmem:s2] =	stream.indirect.scatter.add.f32 [tilespmem:s7], [sflag:$0x3], $0x1, s8, s29, $0xb8;
	[tilespmem:$0x19780] =	vst v63  }
0x9d: {  	s9 =	simm.s32 $0x2AA0;
	s10 =	simm.s32 $0x320  }
0x9e: {  	[spmem:s2] =	stream.indirect.scatter.add.f32 [tilespmem:s9], [sflag:$0x3], $0x1, s10, s29, $0xb8;
	[tilespmem:$0x19780] =	vst v63  }
0x9f: {  	s7 =	simm.s32 $0x2AF0;
	s8 =	simm.s32 $0x370  }
0xa0: {  	[spmem:s2] =	stream.indirect.scatter.add.f32 [tilespmem:s7], [sflag:$0x3], $0x1, s8, s29, $0xb8;
	[tilespmem:$0x19780] =	vst v63  }
0xa1: {  	s9 =	simm.s32 $0x2B40;
	s10 =	simm.s32 $0x3C0  }
0xa2: {  	[spmem:s2] =	stream.indirect.scatter.add.f32 [tilespmem:s9], [sflag:$0x3], $0x1, s10, s29, $0xb8;
	[tilespmem:$0x19780] =	vst v63  }
0xa3: {  	s7 =	simm.s32 $0x2B90;
	s8 =	simm.s32 $0x410  }
0xa4: {  	[spmem:s2] =	stream.indirect.scatter.add.f32 [tilespmem:s7], [sflag:$0x3], $0x1, s8, s29, $0xb8;
	[tilespmem:$0x19780] =	vst v63  }
0xa5: {  	s9 =	simm.s32 $0x2BE0;
	s10 =	simm.s32 $0x460  }
0xa6: {  	[spmem:s2] =	stream.indirect.scatter.add.f32 [tilespmem:s9], [sflag:$0x3], $0x1, s10, s29, $0xb8;
	[tilespmem:$0x19780] =	vst v63  }
0xa7: {  	s7 =	simm.s32 $0x2C30;
	s8 =	simm.s32 $0x4B0  }
0xa8: {  	[spmem:s2] =	stream.indirect.scatter.add.f32 [tilespmem:s7], [sflag:$0x3], $0x1, s8, s29, $0xb8;
	[tilespmem:$0x19780] =	vst v63  }
0xa9: {  	s9 =	simm.s32 $0x2C80;
	s10 =	simm.s32 $0x500  }
0xaa: {  	[spmem:s2] =	stream.indirect.scatter.add.f32 [tilespmem:s9], [sflag:$0x3], $0x1, s10, s29, $0xb8;
	[tilespmem:$0x19780] =	vst v63  }
0xab: {  	s7 =	simm.s32 $0x2CD0;
	s8 =	simm.s32 $0x550  }
0xac: {  	[spmem:s2] =	stream.indirect.scatter.add.f32 [tilespmem:s7], [sflag:$0x3], $0x1, s8, s29, $0xb8;
	[tilespmem:$0x19780] =	vst v63  }
0xad: {  	s9 =	simm.s32 $0x2D20;
	s10 =	simm.s32 $0x5A0  }
0xae: {  	[spmem:s2] =	stream.indirect.scatter.add.f32 [tilespmem:s9], [sflag:$0x3], $0x1, s10, s29, $0xb8;
	[tilespmem:$0x19780] =	vst v63  }
0xaf: {  	s7 =	simm.s32 $0x2D70;
	s8 =	simm.s32 $0x5F0  }
0xb0: {  	[spmem:s2] =	stream.indirect.scatter.add.f32 [tilespmem:s7], [sflag:$0x3], $0x1, s8, s29, $0xb8;
	[tilespmem:$0x19780] =	vst v63  }
0xb1: {  	s9 =	simm.s32 $0x2DC0;
	s10 =	simm.s32 $0x640  }
0xb2: {  	[spmem:s2] =	stream.indirect.scatter.add.f32 [tilespmem:s9], [sflag:$0x3], $0x1, s10, s29, $0xb8;
	[tilespmem:$0x19780] =	vst v63  }
0xb3: {  	s7 =	simm.s32 $0x2E10;
	s8 =	simm.s32 $0x690  }
0xb4: {  	[spmem:s2] =	stream.indirect.scatter.add.f32 [tilespmem:s7], [sflag:$0x3], $0x1, s8, s29, $0xb8;
	[tilespmem:$0x19780] =	vst v63  }
0xb5: {  	s9 =	simm.s32 $0x2E60;
	s10 =	simm.s32 $0x6E0  }
0xb6: {  	[spmem:s2] =	stream.indirect.scatter.add.f32 [tilespmem:s9], [sflag:$0x3], $0x1, s10, s29, $0xb8;
	[tilespmem:$0x19780] =	vst v63  }
0xb7: {  	s7 =	simm.s32 $0x2EB0;
	s8 =	simm.s32 $0x730  }
0xb8: {  	[spmem:s2] =	stream.indirect.scatter.add.f32 [tilespmem:s7], [sflag:$0x3], $0x1, s8, s29, $0xb8;
	[tilespmem:$0x19780] =	vst v63  }
0xb9: {  	s9 =	simm.s32 $0x2F00;
	s10 =	simm.s32 $0x780  }
0xba: {  	[spmem:s2] =	stream.indirect.scatter.add.f32 [tilespmem:s9], [sflag:$0x3], $0x1, s10, s29, $0xb8;
	[tilespmem:$0x19780] =	vst v63  }
0xbb: {  	_ =	swait.ge [sflag:s0], $0x50  }
0xbc: {  	[sflag:s0] =	ssyncset.done $0x0  }
0xbd: {  	[sflag:s0] =	ssyncadd.s32 $0xFFFFFFB0  }
0xbe: {  	_ =	swait.ge [sflag:s0], $0x50  }
0xbf: {  	[sflag:s0] =	ssyncset.done $0x0  }
0xc0: {  	[sflag:s0] =	ssyncadd.s32 $0xFFFFFFB0  }
0xc1: {  	_ =	swait.ge [sflag:s0], $0x50  }
0xc2: {  	[sflag:s0] =	ssyncset.done $0x0  }
0xc3: {  	[sflag:s0] =	ssyncadd.s32 $0xFFFFFFB0  }
0xc4: {  	_ =	swait.ge [sflag:s0], $0x50  }
0xc5: {  	[sflag:s0] =	ssyncset.done $0x0  }
0xc6: {  	[sflag:s0] =	ssyncadd.s32 $0xFFFFFFB0  }
0xc7: {  	_ =	swait.ge [sflag:s0], $0x50  }
0xc8: {  	[sflag:s0] =	ssyncset.done $0x0  }
0xc9: {  	[sflag:s0] =	ssyncadd.s32 $0xFFFFFFB0  }
0xca: {  	_ =	swait.ge [sflag:s0], $0x50  }
0xcb: {  	[sflag:s0] =	ssyncset.done $0x0  }
0xcc: {  	[sflag:s0] =	ssyncadd.s32 $0xFFFFFFB0  }
0xcd: {  	_ =	swait.ge [sflag:s0], $0x50  }
0xce: {  	[sflag:s0] =	ssyncset.done $0x0  }
0xcf: {  	[sflag:s0] =	ssyncadd.s32 $0xFFFFFFB0  }
0xd0: {  	_ =	swait.ge [sflag:s0], $0x50  }
0xd1: {  	[sflag:s0] =	ssyncset.done $0x0  }
0xd2: {  	[sflag:s0] =	ssyncadd.s32 $0xFFFFFFB0  }
0xd3: {  	_ =	swait.ge [sflag:s0], $0x50  }
0xd4: {  	[sflag:s0] =	ssyncset.done $0x0  }
0xd5: {  	[sflag:s0] =	ssyncadd.s32 $0xFFFFFFB0  }
0xd6: {  	_ =	swait.ge [sflag:s0], $0x50  }
0xd7: {  	[sflag:s0] =	ssyncset.done $0x0  }
0xd8: {  	[sflag:s0] =	ssyncadd.s32 $0xFFFFFFB0  }
0xd9: {  	_ =	swait.ge [sflag:s0], $0x50  }
0xda: {  	[sflag:s0] =	ssyncset.done $0x0  }
0xdb: {  	[sflag:s0] =	ssyncadd.s32 $0xFFFFFFB0  }
0xdc: {  	_ =	swait.ge [sflag:s0], $0x50  }
0xdd: {  	[sflag:s0] =	ssyncset.done $0x0  }
0xde: {  	[sflag:s0] =	ssyncadd.s32 $0xFFFFFFB0  }
0xdf: {  	_ =	swait.ge [sflag:s0], $0x50  }
0xe0: {  	[sflag:s0] =	ssyncset.done $0x0  }
0xe1: {  	[sflag:s0] =	ssyncadd.s32 $0xFFFFFFB0  }
0xe2: {  	_ =	swait.ge [sflag:s0], $0x50  }
0xe3: {  	[sflag:s0] =	ssyncset.done $0x0  }
0xe4: {  	[sflag:s0] =	ssyncadd.s32 $0xFFFFFFB0  }
0xe5: {  	_ =	swait.ge [sflag:s0], $0x50  }
0xe6: {  	[sflag:s0] =	ssyncset.done $0x0  }
0xe7: {  	[sflag:s0] =	ssyncadd.s32 $0xFFFFFFB0  }
0xe8: {  	_ =	swait.ge [sflag:s0], $0x50  }
0xe9: {  	[sflag:s0] =	ssyncset.done $0x0  }
0xea: {  	[sflag:s0] =	ssyncadd.s32 $0xFFFFFFB0  }
0xeb: {  	_ =	swait.ge [sflag:s0], $0x50  }
0xec: {  	[sflag:s0] =	ssyncset.done $0x0  }
0xed: {  	[sflag:s0] =	ssyncadd.s32 $0xFFFFFFB0  }
0xee: {  	_ =	swait.ge [sflag:s0], $0x50  }
0xef: {  	[sflag:s0] =	ssyncset.done $0x0  }
0xf0: {  	[sflag:s0] =	ssyncadd.s32 $0xFFFFFFB0  }
0xf1: {  	_ =	swait.ge [sflag:s0], $0x50  }
0xf2: {  	[sflag:s0] =	ssyncset.done $0x0  }
0xf3: {  	[sflag:s0] =	ssyncadd.s32 $0xFFFFFFB0  }
0xf4: {  	_ =	swait.ge [sflag:s0], $0x50  }
0xf5: {  	[sflag:s0] =	ssyncset.done $0x0  }
0xf6: {  	[sflag:s0] =	ssyncadd.s32 $0xFFFFFFB0  }
0xf7: {  	_ =	swait.ge [sflag:s0], $0x50  }
0xf8: {  	[sflag:s0] =	ssyncset.done $0x0  }
0xf9: {  	[sflag:s0] =	ssyncadd.s32 $0xFFFFFFB0  }
0xfa: {  	_ =	swait.ge [sflag:s0], $0x50  }
0xfb: {  	[sflag:s0] =	ssyncset.done $0x0  }
0xfc: {  	[sflag:s0] =	ssyncadd.s32 $0xFFFFFFB0  }
0xfd: {  	_ =	swait.ge [sflag:s0], $0x50  }
0xfe: {  	[sflag:s0] =	ssyncset.done $0x0  }
0xff: {  	[sflag:s0] =	ssyncadd.s32 $0xFFFFFFB0  }
0x100: {  	_ =	swait.ge [sflag:s0], $0x50  }
0x101: {  	[sflag:s0] =	ssyncset.done $0x0  }
0x102: {  	[sflag:s0] =	ssyncadd.s32 $0xFFFFFFB0  }
0x103: {  	_ =	swait.ge [sflag:s0], $0x50  }
0x104: {  	s6 =	simm.s32 $0x3E80;
	s8 =	simm.s32 $0x7D0;
	[sflag:s0] =	ssyncset.done $0x0  }
.LBB2_4:
0x105: {  	s10 =	sadd.s32 $0x2780, s8  }
0x106: {  	[sflag:s0] =	ssyncadd.s32 $0xFFFFFFB0;
	s7 =	smov.u32 s6;
	s9 =	sadd.s32 $0x1F40, s6  }
0x107: {  	[spmem:s2] =	stream.indirect.scatter.add.f32 [tilespmem:s10], [sflag:$0x3], $0x1, s8, s29, $0xb8;
	[tilespmem:$0x19780] =	vst v63  }
0x108: {  	p0 =	sne.s32 s6, $0x7D00;
	s6 =	sadd.s32 $0x27D0, s8;
	s10 =	sadd.s32 $0x50, s8  }
0x109: {  	[spmem:s2] =	stream.indirect.scatter.add.f32 [tilespmem:s6], [sflag:$0x3], $0x1, s10, s29, $0xb8;
	[tilespmem:$0x19780] =	vst v63  }
0x10a: {  	s6 =	sadd.s32 $0x2820, s8;
	s10 =	sadd.s32 $0xA0, s8  }
0x10b: {  	[spmem:s2] =	stream.indirect.scatter.add.f32 [tilespmem:s6], [sflag:$0x3], $0x1, s10, s29, $0xb8;
	[tilespmem:$0x19780] =	vst v63  }
0x10c: {  	s6 =	sadd.s32 $0x2870, s8;
	s10 =	sadd.s32 $0xF0, s8  }
0x10d: {  	[spmem:s2] =	stream.indirect.scatter.add.f32 [tilespmem:s6], [sflag:$0x3], $0x1, s10, s29, $0xb8;
	[tilespmem:$0x19780] =	vst v63  }
0x10e: {  	s6 =	sadd.s32 $0x28C0, s8;
	s10 =	sadd.s32 $0x140, s8  }
0x10f: {  	[spmem:s2] =	stream.indirect.scatter.add.f32 [tilespmem:s6], [sflag:$0x3], $0x1, s10, s29, $0xb8;
	[tilespmem:$0x19780] =	vst v63  }
0x110: {  	s6 =	sadd.s32 $0x2910, s8;
	s10 =	sadd.s32 $0x190, s8  }
0x111: {  	[spmem:s2] =	stream.indirect.scatter.add.f32 [tilespmem:s6], [sflag:$0x3], $0x1, s10, s29, $0xb8;
	[tilespmem:$0x19780] =	vst v63  }
0x112: {  	s6 =	sadd.s32 $0x2960, s8;
	s10 =	sadd.s32 $0x1E0, s8  }
0x113: {  	[spmem:s2] =	stream.indirect.scatter.add.f32 [tilespmem:s6], [sflag:$0x3], $0x1, s10, s29, $0xb8;
	[tilespmem:$0x19780] =	vst v63  }
0x114: {  	s6 =	sadd.s32 $0x29B0, s8;
	s10 =	sadd.s32 $0x230, s8  }
0x115: {  	[spmem:s2] =	stream.indirect.scatter.add.f32 [tilespmem:s6], [sflag:$0x3], $0x1, s10, s29, $0xb8;
	[tilespmem:$0x19780] =	vst v63  }
0x116: {  	s6 =	sadd.s32 $0x2A00, s8;
	s10 =	sadd.s32 $0x280, s8  }
0x117: {  	[spmem:s2] =	stream.indirect.scatter.add.f32 [tilespmem:s6], [sflag:$0x3], $0x1, s10, s29, $0xb8;
	[tilespmem:$0x19780] =	vst v63  }
0x118: {  	s6 =	sadd.s32 $0x2A50, s8;
	s10 =	sadd.s32 $0x2D0, s8  }
0x119: {  	[spmem:s2] =	stream.indirect.scatter.add.f32 [tilespmem:s6], [sflag:$0x3], $0x1, s10, s29, $0xb8;
	[tilespmem:$0x19780] =	vst v63  }
0x11a: {  	s6 =	sadd.s32 $0x2AA0, s8;
	s10 =	sadd.s32 $0x320, s8  }
0x11b: {  	[spmem:s2] =	stream.indirect.scatter.add.f32 [tilespmem:s6], [sflag:$0x3], $0x1, s10, s29, $0xb8;
	[tilespmem:$0x19780] =	vst v63  }
0x11c: {  	s6 =	sadd.s32 $0x2AF0, s8;
	s10 =	sadd.s32 $0x370, s8  }
0x11d: {  	[spmem:s2] =	stream.indirect.scatter.add.f32 [tilespmem:s6], [sflag:$0x3], $0x1, s10, s29, $0xb8;
	[tilespmem:$0x19780] =	vst v63  }
0x11e: {  	s6 =	sadd.s32 $0x2B40, s8;
	s10 =	sadd.s32 $0x3C0, s8  }
0x11f: {  	[spmem:s2] =	stream.indirect.scatter.add.f32 [tilespmem:s6], [sflag:$0x3], $0x1, s10, s29, $0xb8;
	[tilespmem:$0x19780] =	vst v63  }
0x120: {  	s6 =	sadd.s32 $0x2B90, s8;
	s10 =	sadd.s32 $0x410, s8  }
0x121: {  	[spmem:s2] =	stream.indirect.scatter.add.f32 [tilespmem:s6], [sflag:$0x3], $0x1, s10, s29, $0xb8;
	[tilespmem:$0x19780] =	vst v63  }
0x122: {  	s6 =	sadd.s32 $0x2BE0, s8;
	s10 =	sadd.s32 $0x460, s8  }
0x123: {  	[spmem:s2] =	stream.indirect.scatter.add.f32 [tilespmem:s6], [sflag:$0x3], $0x1, s10, s29, $0xb8;
	[tilespmem:$0x19780] =	vst v63  }
0x124: {  	s6 =	sadd.s32 $0x2C30, s8;
	s10 =	sadd.s32 $0x4B0, s8  }
0x125: {  	[spmem:s2] =	stream.indirect.scatter.add.f32 [tilespmem:s6], [sflag:$0x3], $0x1, s10, s29, $0xb8;
	[tilespmem:$0x19780] =	vst v63  }
0x126: {  	s6 =	sadd.s32 $0x2C80, s8;
	s10 =	sadd.s32 $0x500, s8  }
0x127: {  	[spmem:s2] =	stream.indirect.scatter.add.f32 [tilespmem:s6], [sflag:$0x3], $0x1, s10, s29, $0xb8;
	[tilespmem:$0x19780] =	vst v63  }
0x128: {  	s6 =	sadd.s32 $0x2CD0, s8;
	s10 =	sadd.s32 $0x550, s8  }
0x129: {  	[spmem:s2] =	stream.indirect.scatter.add.f32 [tilespmem:s6], [sflag:$0x3], $0x1, s10, s29, $0xb8;
	[tilespmem:$0x19780] =	vst v63  }
0x12a: {  	s6 =	sadd.s32 $0x2D20, s8;
	s10 =	sadd.s32 $0x5A0, s8  }
0x12b: {  	[spmem:s2] =	stream.indirect.scatter.add.f32 [tilespmem:s6], [sflag:$0x3], $0x1, s10, s29, $0xb8;
	[tilespmem:$0x19780] =	vst v63  }
0x12c: {  	s6 =	sadd.s32 $0x2D70, s8;
	s10 =	sadd.s32 $0x5F0, s8  }
0x12d: {  	[spmem:s2] =	stream.indirect.scatter.add.f32 [tilespmem:s6], [sflag:$0x3], $0x1, s10, s29, $0xb8;
	[tilespmem:$0x19780] =	vst v63  }
0x12e: {  	s6 =	sadd.s32 $0x2DC0, s8;
	s10 =	sadd.s32 $0x640, s8  }
0x12f: {  	[spmem:s2] =	stream.indirect.scatter.add.f32 [tilespmem:s6], [sflag:$0x3], $0x1, s10, s29, $0xb8;
	[tilespmem:$0x19780] =	vst v63  }
0x130: {  	s6 =	sadd.s32 $0x2E10, s8;
	s10 =	sadd.s32 $0x690, s8  }
0x131: {  	[spmem:s2] =	stream.indirect.scatter.add.f32 [tilespmem:s6], [sflag:$0x3], $0x1, s10, s29, $0xb8;
	[tilespmem:$0x19780] =	vst v63  }
0x132: {  	s6 =	sadd.s32 $0x2E60, s8;
	s10 =	sadd.s32 $0x6E0, s8  }
0x133: {  	[spmem:s2] =	stream.indirect.scatter.add.f32 [tilespmem:s6], [sflag:$0x3], $0x1, s10, s29, $0xb8;
	[tilespmem:$0x19780] =	vst v63  }
0x134: {  	s6 =	sadd.s32 $0x2EB0, s8;
	s10 =	sadd.s32 $0x730, s8  }
0x135: {  	[spmem:s2] =	stream.indirect.scatter.add.f32 [tilespmem:s6], [sflag:$0x3], $0x1, s10, s29, $0xb8;
	[tilespmem:$0x19780] =	vst v63  }
0x136: {  	s6 =	sadd.s32 $0x2F00, s8;
	s8 =	sadd.s32 $0x780, s8  }
0x137: {  	[spmem:s2] =	stream.indirect.scatter.add.f32 [tilespmem:s6], [sflag:$0x3], $0x1, s8, s29, $0xb8;
	[tilespmem:$0x19780] =	vst v63  }
0x138: {  	_ =	swait.ge [sflag:s0], $0x50  }
0x139: {  	[sflag:s0] =	ssyncset.done $0x0  }
0x13a: {  	[sflag:s0] =	ssyncadd.s32 $0xFFFFFFB0  }
0x13b: {  	_ =	swait.ge [sflag:s0], $0x50  }
0x13c: {  	[sflag:s0] =	ssyncset.done $0x0  }
0x13d: {  	[sflag:s0] =	ssyncadd.s32 $0xFFFFFFB0  }
0x13e: {  	_ =	swait.ge [sflag:s0], $0x50  }
0x13f: {  	[sflag:s0] =	ssyncset.done $0x0  }
0x140: {  	[sflag:s0] =	ssyncadd.s32 $0xFFFFFFB0  }
0x141: {  	_ =	swait.ge [sflag:s0], $0x50  }
0x142: {  	[sflag:s0] =	ssyncset.done $0x0  }
0x143: {  	[sflag:s0] =	ssyncadd.s32 $0xFFFFFFB0  }
0x144: {  	_ =	swait.ge [sflag:s0], $0x50  }
0x145: {  	[sflag:s0] =	ssyncset.done $0x0  }
0x146: {  	[sflag:s0] =	ssyncadd.s32 $0xFFFFFFB0  }
0x147: {  	_ =	swait.ge [sflag:s0], $0x50  }
0x148: {  	[sflag:s0] =	ssyncset.done $0x0  }
0x149: {  	[sflag:s0] =	ssyncadd.s32 $0xFFFFFFB0  }
0x14a: {  	_ =	swait.ge [sflag:s0], $0x50  }
0x14b: {  	[sflag:s0] =	ssyncset.done $0x0  }
0x14c: {  	[sflag:s0] =	ssyncadd.s32 $0xFFFFFFB0  }
0x14d: {  	_ =	swait.ge [sflag:s0], $0x50  }
0x14e: {  	[sflag:s0] =	ssyncset.done $0x0  }
0x14f: {  	[sflag:s0] =	ssyncadd.s32 $0xFFFFFFB0  }
0x150: {  	_ =	swait.ge [sflag:s0], $0x50  }
0x151: {  	[sflag:s0] =	ssyncset.done $0x0  }
0x152: {  	[sflag:s0] =	ssyncadd.s32 $0xFFFFFFB0  }
0x153: {  	_ =	swait.ge [sflag:s0], $0x50  }
0x154: {  	[sflag:s0] =	ssyncset.done $0x0  }
0x155: {  	[sflag:s0] =	ssyncadd.s32 $0xFFFFFFB0  }
0x156: {  	_ =	swait.ge [sflag:s0], $0x50  }
0x157: {  	[sflag:s0] =	ssyncset.done $0x0  }
0x158: {  	[sflag:s0] =	ssyncadd.s32 $0xFFFFFFB0  }
0x159: {  	_ =	swait.ge [sflag:s0], $0x50  }
0x15a: {  	[sflag:s0] =	ssyncset.done $0x0  }
0x15b: {  	[sflag:s0] =	ssyncadd.s32 $0xFFFFFFB0  }
0x15c: {  	_ =	swait.ge [sflag:s0], $0x50  }
0x15d: {  	[sflag:s0] =	ssyncset.done $0x0  }
0x15e: {  	[sflag:s0] =	ssyncadd.s32 $0xFFFFFFB0  }
0x15f: {  	_ =	swait.ge [sflag:s0], $0x50  }
0x160: {  	[sflag:s0] =	ssyncset.done $0x0  }
0x161: {  	[sflag:s0] =	ssyncadd.s32 $0xFFFFFFB0  }
0x162: {  	_ =	swait.ge [sflag:s0], $0x50  }
0x163: {  	[sflag:s0] =	ssyncset.done $0x0  }
0x164: {  	[sflag:s0] =	ssyncadd.s32 $0xFFFFFFB0  }
0x165: {  	_ =	swait.ge [sflag:s0], $0x50  }
0x166: {  	[sflag:s0] =	ssyncset.done $0x0  }
0x167: {  	[sflag:s0] =	ssyncadd.s32 $0xFFFFFFB0  }
0x168: {  	_ =	swait.ge [sflag:s0], $0x50  }
0x169: {  	[sflag:s0] =	ssyncset.done $0x0  }
0x16a: {  	[sflag:s0] =	ssyncadd.s32 $0xFFFFFFB0  }
0x16b: {  	_ =	swait.ge [sflag:s0], $0x50  }
0x16c: {  	[sflag:s0] =	ssyncset.done $0x0  }
0x16d: {  	[sflag:s0] =	ssyncadd.s32 $0xFFFFFFB0  }
0x16e: {  	_ =	swait.ge [sflag:s0], $0x50  }
0x16f: {  	[sflag:s0] =	ssyncset.done $0x0  }
0x170: {  	[sflag:s0] =	ssyncadd.s32 $0xFFFFFFB0  }
0x171: {  	_ =	swait.ge [sflag:s0], $0x50  }
0x172: {  	[sflag:s0] =	ssyncset.done $0x0  }
0x173: {  	[sflag:s0] =	ssyncadd.s32 $0xFFFFFFB0  }
0x174: {  	_ =	swait.ge [sflag:s0], $0x50  }
0x175: {  	[sflag:s0] =	ssyncset.done $0x0  }
0x176: {  	[sflag:s0] =	ssyncadd.s32 $0xFFFFFFB0  }
0x177: {  	_ =	swait.ge [sflag:s0], $0x50  }
0x178: {  	[sflag:s0] =	ssyncset.done $0x0  }
0x179: {  	[sflag:s0] =	ssyncadd.s32 $0xFFFFFFB0  }
0x17a: {  	_ =	swait.ge [sflag:s0], $0x50  }
0x17b: {  	[sflag:s0] =	ssyncset.done $0x0  }
0x17c: {  	[sflag:s0] =	ssyncadd.s32 $0xFFFFFFB0  }
.Ltmp1:
0x17d: {  	_ =	swait.ge [sflag:s0], $0x50;
	(pc) =	sbr.rel @p0 .LBB2_4-.Ltmp1, $4  }
0x17e: {  	[sflag:s0] =	ssyncset.done $0x0  }
0x17f: {  	[sflag:s0] =	ssyncadd.s32 $0xFFFFFFB0  }
0x180: {  	_ =	swait.ge [sflag:s0], $0x50  }
0x181: {  	s8 =	sshra.s32 s7, $0x2;
	s6 =	smov.u32 s9;
	[sflag:s0] =	ssyncset.done $0x0  }
0x182: {  	s6 =	sadd.s32 $0x2780, s8;
	[sflag:s0] =	ssyncadd.s32 $0xFFFFFFB0  }
0x183: {  	[spmem:s2] =	stream.indirect.scatter.add.f32 [tilespmem:s6], [sflag:$0x3], $0x1, s8, s29, $0xb8;
	[tilespmem:$0x19780] =	vst v63  }
0x184: {  	s10 =	sadd.s32 $0x27D0, s8;
	s7 =	sadd.s32 $0x50, s8  }
0x185: {  	[spmem:s2] =	stream.indirect.scatter.add.f32 [tilespmem:s10], [sflag:$0x3], $0x1, s7, s29, $0xb8;
	[tilespmem:$0x19780] =	vst v63  }
0x186: {  	s9 =	sadd.s32 $0x2820, s8;
	s10 =	sadd.s32 $0xA0, s8  }
0x187: {  	[spmem:s2] =	stream.indirect.scatter.add.f32 [tilespmem:s9], [sflag:$0x3], $0x1, s10, s29, $0xb8;
	[tilespmem:$0x19780] =	vst v63  }
0x188: {  	s9 =	sadd.s32 $0x2870, s8;
	s10 =	sadd.s32 $0xF0, s8  }
0x189: {  	[spmem:s2] =	stream.indirect.scatter.add.f32 [tilespmem:s9], [sflag:$0x3], $0x1, s10, s29, $0xb8;
	[tilespmem:$0x19780] =	vst v63  }
0x18a: {  	s9 =	sadd.s32 $0x28C0, s8;
	s10 =	sadd.s32 $0x140, s8  }
0x18b: {  	[spmem:s2] =	stream.indirect.scatter.add.f32 [tilespmem:s9], [sflag:$0x3], $0x1, s10, s29, $0xb8;
	[tilespmem:$0x19780] =	vst v63  }
0x18c: {  	s9 =	sadd.s32 $0x2910, s8;
	s10 =	sadd.s32 $0x190, s8  }
0x18d: {  	[spmem:s2] =	stream.indirect.scatter.add.f32 [tilespmem:s9], [sflag:$0x3], $0x1, s10, s29, $0xb8;
	[tilespmem:$0x19780] =	vst v63  }
0x18e: {  	s9 =	sadd.s32 $0x2960, s8;
	s10 =	sadd.s32 $0x1E0, s8  }
0x18f: {  	[spmem:s2] =	stream.indirect.scatter.add.f32 [tilespmem:s9], [sflag:$0x3], $0x1, s10, s29, $0xb8;
	[tilespmem:$0x19780] =	vst v63  }
0x190: {  	s9 =	sadd.s32 $0x29B0, s8;
	s10 =	sadd.s32 $0x230, s8  }
0x191: {  	[spmem:s2] =	stream.indirect.scatter.add.f32 [tilespmem:s9], [sflag:$0x3], $0x1, s10, s29, $0xb8;
	[tilespmem:$0x19780] =	vst v63  }
0x192: {  	s9 =	sadd.s32 $0x2A00, s8;
	s10 =	sadd.s32 $0x280, s8  }
0x193: {  	[spmem:s2] =	stream.indirect.scatter.add.f32 [tilespmem:s9], [sflag:$0x3], $0x1, s10, s29, $0xb8;
	[tilespmem:$0x19780] =	vst v63  }
0x194: {  	s9 =	sadd.s32 $0x2A50, s8;
	s10 =	sadd.s32 $0x2D0, s8  }
0x195: {  	[spmem:s2] =	stream.indirect.scatter.add.f32 [tilespmem:s9], [sflag:$0x3], $0x1, s10, s29, $0xb8;
	[tilespmem:$0x19780] =	vst v63  }
0x196: {  	s9 =	sadd.s32 $0x2AA0, s8;
	s10 =	sadd.s32 $0x320, s8  }
0x197: {  	[spmem:s2] =	stream.indirect.scatter.add.f32 [tilespmem:s9], [sflag:$0x3], $0x1, s10, s29, $0xb8;
	[tilespmem:$0x19780] =	vst v63  }
0x198: {  	s9 =	sadd.s32 $0x2AF0, s8;
	s10 =	sadd.s32 $0x370, s8  }
0x199: {  	[spmem:s2] =	stream.indirect.scatter.add.f32 [tilespmem:s9], [sflag:$0x3], $0x1, s10, s29, $0xb8;
	[tilespmem:$0x19780] =	vst v63  }
0x19a: {  	s9 =	sadd.s32 $0x2B40, s8;
	s10 =	sadd.s32 $0x3C0, s8  }
0x19b: {  	[spmem:s2] =	stream.indirect.scatter.add.f32 [tilespmem:s9], [sflag:$0x3], $0x1, s10, s29, $0xb8;
	[tilespmem:$0x19780] =	vst v63  }
0x19c: {  	s9 =	sadd.s32 $0x2B90, s8;
	s10 =	sadd.s32 $0x410, s8  }
0x19d: {  	[spmem:s2] =	stream.indirect.scatter.add.f32 [tilespmem:s9], [sflag:$0x3], $0x1, s10, s29, $0xb8;
	[tilespmem:$0x19780] =	vst v63  }
0x19e: {  	s9 =	sadd.s32 $0x2BE0, s8;
	s10 =	sadd.s32 $0x460, s8  }
0x19f: {  	[spmem:s2] =	stream.indirect.scatter.add.f32 [tilespmem:s9], [sflag:$0x3], $0x1, s10, s29, $0xb8;
	[tilespmem:$0x19780] =	vst v63  }
0x1a0: {  	s9 =	sadd.s32 $0x2C30, s8;
	s10 =	sadd.s32 $0x4B0, s8  }
0x1a1: {  	[spmem:s2] =	stream.indirect.scatter.add.f32 [tilespmem:s9], [sflag:$0x3], $0x1, s10, s29, $0xb8;
	[tilespmem:$0x19780] =	vst v63  }
0x1a2: {  	s9 =	sadd.s32 $0x2C80, s8;
	s10 =	sadd.s32 $0x500, s8  }
0x1a3: {  	[spmem:s2] =	stream.indirect.scatter.add.f32 [tilespmem:s9], [sflag:$0x3], $0x1, s10, s29, $0xb8;
	[tilespmem:$0x19780] =	vst v63  }
0x1a4: {  	s9 =	sadd.s32 $0x2CD0, s8;
	s10 =	sadd.s32 $0x550, s8  }
0x1a5: {  	[spmem:s2] =	stream.indirect.scatter.add.f32 [tilespmem:s9], [sflag:$0x3], $0x1, s10, s29, $0xb8;
	[tilespmem:$0x19780] =	vst v63  }
0x1a6: {  	s9 =	sadd.s32 $0x2D20, s8;
	s10 =	sadd.s32 $0x5A0, s8  }
0x1a7: {  	[spmem:s2] =	stream.indirect.scatter.add.f32 [tilespmem:s9], [sflag:$0x3], $0x1, s10, s29, $0xb8;
	[tilespmem:$0x19780] =	vst v63  }
0x1a8: {  	s9 =	sadd.s32 $0x2D70, s8;
	s10 =	sadd.s32 $0x5F0, s8  }
0x1a9: {  	[spmem:s2] =	stream.indirect.scatter.add.f32 [tilespmem:s9], [sflag:$0x3], $0x1, s10, s29, $0xb8;
	[tilespmem:$0x19780] =	vst v63  }
0x1aa: {  	s9 =	sadd.s32 $0x2DC0, s8;
	s10 =	sadd.s32 $0x640, s8  }
0x1ab: {  	[spmem:s2] =	stream.indirect.scatter.add.f32 [tilespmem:s9], [sflag:$0x3], $0x1, s10, s29, $0xb8;
	[tilespmem:$0x19780] =	vst v63  }
0x1ac: {  	s9 =	sadd.s32 $0x2E10, s8;
	s10 =	sadd.s32 $0x690, s8  }
0x1ad: {  	[spmem:s2] =	stream.indirect.scatter.add.f32 [tilespmem:s9], [sflag:$0x3], $0x1, s10, s29, $0xb8;
	[tilespmem:$0x19780] =	vst v63  }
0x1ae: {  	s9 =	sadd.s32 $0x2E60, s8;
	s10 =	sadd.s32 $0x6E0, s8  }
0x1af: {  	[spmem:s2] =	stream.indirect.scatter.add.f32 [tilespmem:s9], [sflag:$0x3], $0x1, s10, s29, $0xb8;
	[tilespmem:$0x19780] =	vst v63  }
0x1b0: {  	s9 =	sadd.s32 $0x2EB0, s8;
	s10 =	sadd.s32 $0x730, s8  }
0x1b1: {  	[spmem:s2] =	stream.indirect.scatter.add.f32 [tilespmem:s9], [sflag:$0x3], $0x1, s10, s29, $0xb8;
	[tilespmem:$0x19780] =	vst v63  }
0x1b2: {  	s7 =	sadd.s32 $0x2F00, s8;
	s8 =	sadd.s32 $0x780, s8  }
0x1b3: {  	[spmem:s2] =	stream.indirect.scatter.add.f32 [tilespmem:s7], [sflag:$0x3], $0x1, s8, s29, $0xb8;
	[tilespmem:$0x19780] =	vst v63  }
0x1b4: {  	_ =	swait.ge [sflag:s0], $0x50  }
0x1b5: {  	[sflag:s0] =	ssyncset.done $0x0  }
0x1b6: {  	[sflag:s0] =	ssyncadd.s32 $0xFFFFFFB0  }
0x1b7: {  	_ =	swait.ge [sflag:s0], $0x50  }
0x1b8: {  	[sflag:s0] =	ssyncset.done $0x0  }
0x1b9: {  	[sflag:s0] =	ssyncadd.s32 $0xFFFFFFB0  }
0x1ba: {  	_ =	swait.ge [sflag:s0], $0x50  }
0x1bb: {  	[sflag:s0] =	ssyncset.done $0x0  }
0x1bc: {  	[sflag:s0] =	ssyncadd.s32 $0xFFFFFFB0  }
0x1bd: {  	_ =	swait.ge [sflag:s0], $0x50  }
0x1be: {  	[sflag:s0] =	ssyncset.done $0x0  }
0x1bf: {  	[sflag:s0] =	ssyncadd.s32 $0xFFFFFFB0  }
0x1c0: {  	_ =	swait.ge [sflag:s0], $0x50  }
0x1c1: {  	[sflag:s0] =	ssyncset.done $0x0  }
0x1c2: {  	[sflag:s0] =	ssyncadd.s32 $0xFFFFFFB0  }
0x1c3: {  	_ =	swait.ge [sflag:s0], $0x50  }
0x1c4: {  	[sflag:s0] =	ssyncset.done $0x0  }
0x1c5: {  	[sflag:s0] =	ssyncadd.s32 $0xFFFFFFB0  }
0x1c6: {  	_ =	swait.ge [sflag:s0], $0x50  }
0x1c7: {  	[sflag:s0] =	ssyncset.done $0x0  }
0x1c8: {  	[sflag:s0] =	ssyncadd.s32 $0xFFFFFFB0  }
0x1c9: {  	_ =	swait.ge [sflag:s0], $0x50  }
0x1ca: {  	[sflag:s0] =	ssyncset.done $0x0  }
0x1cb: {  	[sflag:s0] =	ssyncadd.s32 $0xFFFFFFB0  }
0x1cc: {  	_ =	swait.ge [sflag:s0], $0x50  }
0x1cd: {  	[sflag:s0] =	ssyncset.done $0x0  }
0x1ce: {  	[sflag:s0] =	ssyncadd.s32 $0xFFFFFFB0  }
0x1cf: {  	_ =	swait.ge [sflag:s0], $0x50  }
0x1d0: {  	[sflag:s0] =	ssyncset.done $0x0  }
0x1d1: {  	[sflag:s0] =	ssyncadd.s32 $0xFFFFFFB0  }
0x1d2: {  	_ =	swait.ge [sflag:s0], $0x50  }
0x1d3: {  	[sflag:s0] =	ssyncset.done $0x0  }
0x1d4: {  	[sflag:s0] =	ssyncadd.s32 $0xFFFFFFB0  }
0x1d5: {  	_ =	swait.ge [sflag:s0], $0x50  }
0x1d6: {  	[sflag:s0] =	ssyncset.done $0x0  }
0x1d7: {  	[sflag:s0] =	ssyncadd.s32 $0xFFFFFFB0  }
0x1d8: {  	_ =	swait.ge [sflag:s0], $0x50  }
0x1d9: {  	[sflag:s0] =	ssyncset.done $0x0  }
0x1da: {  	[sflag:s0] =	ssyncadd.s32 $0xFFFFFFB0  }
0x1db: {  	_ =	swait.ge [sflag:s0], $0x50  }
0x1dc: {  	[sflag:s0] =	ssyncset.done $0x0  }
0x1dd: {  	[sflag:s0] =	ssyncadd.s32 $0xFFFFFFB0  }
0x1de: {  	_ =	swait.ge [sflag:s0], $0x50  }
0x1df: {  	[sflag:s0] =	ssyncset.done $0x0  }
0x1e0: {  	[sflag:s0] =	ssyncadd.s32 $0xFFFFFFB0  }
0x1e1: {  	_ =	swait.ge [sflag:s0], $0x50  }
0x1e2: {  	[sflag:s0] =	ssyncset.done $0x0  }
0x1e3: {  	[sflag:s0] =	ssyncadd.s32 $0xFFFFFFB0  }
0x1e4: {  	_ =	swait.ge [sflag:s0], $0x50  }
0x1e5: {  	[sflag:s0] =	ssyncset.done $0x0  }
0x1e6: {  	[sflag:s0] =	ssyncadd.s32 $0xFFFFFFB0  }
0x1e7: {  	_ =	swait.ge [sflag:s0], $0x50  }
0x1e8: {  	[sflag:s0] =	ssyncset.done $0x0  }
0x1e9: {  	[sflag:s0] =	ssyncadd.s32 $0xFFFFFFB0  }
0x1ea: {  	_ =	swait.ge [sflag:s0], $0x50  }
0x1eb: {  	[sflag:s0] =	ssyncset.done $0x0  }
0x1ec: {  	[sflag:s0] =	ssyncadd.s32 $0xFFFFFFB0  }
0x1ed: {  	_ =	swait.ge [sflag:s0], $0x50  }
0x1ee: {  	[sflag:s0] =	ssyncset.done $0x0  }
0x1ef: {  	[sflag:s0] =	ssyncadd.s32 $0xFFFFFFB0  }
0x1f0: {  	_ =	swait.ge [sflag:s0], $0x50  }
0x1f1: {  	[sflag:s0] =	ssyncset.done $0x0  }
0x1f2: {  	[sflag:s0] =	ssyncadd.s32 $0xFFFFFFB0  }
0x1f3: {  	_ =	swait.ge [sflag:s0], $0x50  }
0x1f4: {  	[sflag:s0] =	ssyncset.done $0x0  }
0x1f5: {  	[sflag:s0] =	ssyncadd.s32 $0xFFFFFFB0  }
0x1f6: {  	_ =	swait.ge [sflag:s0], $0x50  }
0x1f7: {  	[sflag:s0] =	ssyncset.done $0x0  }
0x1f8: {  	[sflag:s0] =	ssyncadd.s32 $0xFFFFFFB0  }
0x1f9: {  	_ =	swait.ge [sflag:s0], $0x50  }
0x1fa: {  	[sflag:s0] =	ssyncset.done $0x0  }
0x1fb: {  	[sflag:s0] =	ssyncadd.s32 $0xFFFFFFB0  }
0x1fc: {  	s4 =	sadd.s32 $0x1, s4;
	_ =	swait.ge [sflag:s0], $0x50  }
0x1fd: {  	p0 =	sne.s32 s4, s25;
	s9 =	stileid.u32;
	[sflag:s0] =	ssyncset.done $0x0  }
0x1fe: {  	s10 =	sshrl.u32 s5, $0x3;
	s6 =	sshll.u32 s9, $0x6;
	[sflag:s0] =	ssyncadd.s32 $0xFFFFFFB0  }
.Ltmp2:
0x1ff: {  	s6 =	sor.u32 $0x1C04, s6;
	[bflag:$0x0] =	sbarrier.arrive $0xFFFF;
	(pc) =	sbr.rel @p0 .LBB2_1-.Ltmp2, $4  }
0x200: {  	[hbm:s24], [sflag:s6] =	dma.local [spmem:s10], $0x2710  }
0x201: {  	_ =	swait.ge [sflag:s3], $0x2710  }
0x202: {  	[sflag:s3] =	ssyncset.done $0x0  }
0x203: {  	[sflag:s3] =	ssyncadd.s32 $0xFFFFD8F0  }
0x204: {  	_ =	sfence.sel $0x180000  }
0x205: {  	[bflag:$0x0] =	sbarrier.arrive $0xFFFF  }
0x206: {  	_ =	strace $0x90000047  }
0x207: {  	s0 =	stileid.u32;
	[bflag:$0x2] =	sbarrier.arrive $0xFFFF  }
0x208: {  	p0 =	sne.s32 s0, $0x0;
	s0 =	rddreg [dreg:$0x4]  }
0x209: {  	s0 =	sadd.s32 @!p0 $0x100000, s0  }
0x20a: {  	[sflag:s0] =	ssyncadd.tile.s32 @!p0 $0x1;
	_ =	shalt  }
.Lfunc_end2:
_tile_overlayer_lowered:
.L_overlay_start_2:
0x20b: {  	(tag) =	ssettag $0x2  }
0x20c: {  	s0 =	rddreg [dreg:$0x0];
	s2 =	stileid.u32  }
0x20d: {  	s1 =	rddreg [dreg:$0x1];
	p0 =	sne.s32 s2, $0x0  }
0x20e: {  	s3 =	rddreg [dreg:$0x2];
	[bflag:$0x3] =	sbarrier.arrive $0xFFFF;
	s2 =	simm.s32 @!p0 $0x1C04  }
0x20f: {  	[timem:s3], [sflag:s2] =	dma.local @!p0 [hbm:s0], s1  }
0x210: {  	s0 =	simm.s32 @!p0 $0x4  }
0x211: {  	_ =	swait.ge @!p0 [sflag:s0], s1  }
0x212: {  	s1 =	ssub.s32 @!p0 $0x0, s1;
	[sflag:s0] =	ssyncset.done @!p0 $0x0  }
0x213: {  	[sflag:s0] =	ssyncadd.s32 @!p0 s1  }
0x214: {  	[bflag:$0x3] =	sbarrier.arrive $0xFFFF  }
0x215: {  	_ =	shalt  }

</sc_bundles>
